<compile_context>
chip_gen: v7x
topology: tpu7x:2x2x1
jax: 0.10.2.dev20260603
libtpu: 0.0.44.dev20260713+nightly
codegen_flags: <defaults>
</compile_context>

<pallas_src>
import jax
import jax.numpy as jnp
from jax import lax
from jax.experimental import pallas as pl
from jax.experimental.pallas import tpu as pltpu
from jax.experimental.pallas import tpu_sc as plsc

_LUT_SIZE = 1024
_MAX_DISTANCE = 10.0
_SCALE = (_LUT_SIZE - 1) / _MAX_DISTANCE

_NUM_CORES = 2
_NUM_SUBCORES = 16
_NW = _NUM_CORES * _NUM_SUBCORES
_LANES = 16
_CHUNK_COLS = 128


def _build_diff(lut_hbm, base_vmem, diff_vmem):
    pltpu.sync_copy(lut_hbm, base_vmem.at[pl.ds(0, _LUT_SIZE)])
    last = plsc.load_gather(
        base_vmem, [jnp.full((_LANES,), _LUT_SIZE - 1, jnp.int32)])
    base_vmem[pl.ds(_LUT_SIZE, _LANES)] = last

    @plsc.parallel_loop(0, _LUT_SIZE, step=_LANES)
    def _(i):
        a = base_vmem[pl.ds(i, _LANES)]
        b = base_vmem[pl.ds(i + 1, _LANES)]
        diff_vmem[pl.ds(i, _LANES)] = b - a


def _interp_chunk(d_vmem, base_vmem, diff_vmem, o_vmem, rows):
    @plsc.parallel_loop(0, rows, step=1, unroll=1)
    def _(r):
        for j in range(_CHUNK_COLS // _LANES):
            d = d_vmem[r, pl.ds(j * _LANES, _LANES)]
            x = d * _SCALE
            i0 = x.astype(jnp.int32)
            frac = x - i0.astype(jnp.float32)
            v0 = plsc.load_gather(base_vmem, [i0])
            s = plsc.load_gather(diff_vmem, [i0])
            o_vmem[r, pl.ds(j * _LANES, _LANES)] = v0 + frac * s


def _make_sc_kernel(rows, cols):
    cols_per_w = cols // _NW
    n_chunks = cols_per_w // _CHUNK_COLS
    mesh = plsc.VectorSubcoreMesh(
        core_axis_name="c", subcore_axis_name="s",
        num_cores=_NUM_CORES, num_subcores=_NUM_SUBCORES)

    n_pairs = n_chunks // 2

    def body(d_hbm, lut_hbm, out_hbm, base_vmem, diff_vmem,
             d_v0, d_v1, o_v0, o_v1, sin0, sin1, sout0, sout1):
        wid = lax.axis_index("s") * _NUM_CORES + lax.axis_index("c")
        c_base = wid * cols_per_w
        d_bufs, o_bufs = (d_v0, d_v1), (o_v0, o_v1)
        sin, sout = (sin0, sin1), (sout0, sout1)

        def in_desc(c, b):
            return pltpu.make_async_copy(
                d_hbm.at[:, pl.ds(c_base + c * _CHUNK_COLS, _CHUNK_COLS)],
                d_bufs[b], sin[b])

        def out_desc(c, b):
            return pltpu.make_async_copy(
                o_bufs[b],
                out_hbm.at[:, pl.ds(c_base + c * _CHUNK_COLS, _CHUNK_COLS)],
                sout[b])

        def in_copy(c, b):
            in_desc(c, b).start()

        def out_copy(c, b):
            out_desc(c, b).start()

        in_copy(0, 0)
        in_copy(1, 1)
        _build_diff(lut_hbm, base_vmem, diff_vmem)

        def pair(p, _):
            for b in range(2):
                c = 2 * p + b
                in_desc(c, b).wait()

                @pl.when(p > 0)
                def _():
                    out_desc(c - 2, b).wait()

                _interp_chunk(d_bufs[b], base_vmem, diff_vmem,
                              o_bufs[b], rows)
                out_copy(c, b)

                @pl.when(p < n_pairs - 1)
                def _():
                    in_copy(c + 2, b)
            return ()

        lax.fori_loop(0, n_pairs, pair, ())
        last = 2 * (n_pairs - 1)
        out_desc(last, 0).wait()
        out_desc(last + 1, 1).wait()

    return pl.kernel(
        body,
        out_type=jax.ShapeDtypeStruct((rows, cols), jnp.float32),
        mesh=mesh,
        compiler_params=pltpu.CompilerParams(needs_layout_passes=False),
        scratch_types=[
            pltpu.VMEM((_LUT_SIZE + _LANES,), jnp.float32),
            pltpu.VMEM((_LUT_SIZE,), jnp.float32),
            pltpu.VMEM((rows, _CHUNK_COLS), jnp.float32),
            pltpu.VMEM((rows, _CHUNK_COLS), jnp.float32),
            pltpu.VMEM((rows, _CHUNK_COLS), jnp.float32),
            pltpu.VMEM((rows, _CHUNK_COLS), jnp.float32),
            pltpu.SemaphoreType.DMA,
            pltpu.SemaphoreType.DMA,
            pltpu.SemaphoreType.DMA,
            pltpu.SemaphoreType.DMA,
        ],
    )


def kernel(distances, lut):
    rows, cols = distances.shape
    return _make_sc_kernel(cols, rows)(distances.T, lut).T

# --- scband reference (transcript-rebuilt; emitter-appended) ---
"""Pipeline reference for scband-green-function-lut-87033217286173 (READ-ONLY COPY).

The authoritative reference and input builder live on the scoring server;
editing this copy changes nothing except your own understanding.
"""

import jax, jax.numpy as jnp
import numpy as np
import math

LUT_SIZE = 1024
MAX_DISTANCE = 10.0
CURVATURE = 1.0
ENERGY = complex(1.0, 0.1)


def _compute_lut():
    # Faithful port of GreenFunctionLUT._compute_lut
    distances = np.linspace(0.001, MAX_DISTANCE, LUT_SIZE, dtype=np.float64)
    sqrt_c = math.sqrt(abs(CURVATURE))
    kappa = math.sqrt(abs(CURVATURE) + abs(ENERGY))
    sinh_d = np.clip(np.sinh(sqrt_c * distances), 1e-06, None)
    g_real = np.exp(-kappa * distances) / (4.0 * math.pi * sinh_d)
    return jnp.asarray(g_real, dtype=jnp.float32)


def setup_inputs(seed: int = 0) -> dict:
    key = jax.random.key(seed)
    # fill=rand scaled to the LUT's distance range [0, max_distance)
    distances = jax.random.uniform(key, (16384, 200), dtype=jnp.float32) * MAX_DISTANCE
    lut = _compute_lut()
    return {"distances": distances, "lut": lut}


def reference(distances, lut):
    # Equivalent of _pytorch_forward: grid_sample bilinear on a [1,1,1,L] texture
    # with align_corners=True and padding_mode='border' reduces to 1D linear
    # interpolation along the LUT axis (the height-1 y dim contributes nothing).
    shape = distances.shape
    d_flat = distances.reshape(-1)
    d_norm = jnp.clip(d_flat / MAX_DISTANCE * 2.0 - 1.0, -1.0, 1.0)
    # align_corners=True mapping: x = (g+1)/2 * (L-1)
    x = (d_norm + 1.0) * 0.5 * (LUT_SIZE - 1)
    x0 = jnp.floor(x)
    frac = x - x0
    i0 = jnp.clip(x0.astype(jnp.int32), 0, LUT_SIZE - 1)
    i1 = jnp.clip(i0 + 1, 0, LUT_SIZE - 1)
    v0 = jnp.take(lut, i0)
    v1 = jnp.take(lut, i1)
    out = v0 * (1.0 - frac) + v1 * frac
    return out.reshape(shape)

if __name__ == "__main__":
    import jax
    _d = setup_inputs()
    print(jax.jit(kernel)(*tuple(_d.values())))

</pallas_src>

<mosaic_0001>
#map = affine_map<(d0, d1) -> (0, 0)>
#map1 = affine_map<(d0, d1) -> (0)>
module attributes {stable_mosaic.version = 14 : i64} {
  func.func @body(%arg0: i32, %arg1: i32, %arg2: memref<200x16384xf32, #tpu.memory_space<hbm>>, %arg3: memref<1024xf32, #tpu.memory_space<hbm>>, %arg4: memref<200x16384xf32, #tpu.memory_space<hbm>>, %arg5: memref<1040xf32, #tpu.memory_space<vmem>>, %arg6: memref<1024xf32, #tpu.memory_space<vmem>>, %arg7: memref<200x128xf32, #tpu.memory_space<vmem>>, %arg8: memref<200x128xf32, #tpu.memory_space<vmem>>, %arg9: memref<200x128xf32, #tpu.memory_space<vmem>>, %arg10: memref<200x128xf32, #tpu.memory_space<vmem>>, %arg11: memref<!tpu.dma_semaphore, #tpu.memory_space<semaphore_mem>>, %arg12: memref<!tpu.dma_semaphore, #tpu.memory_space<semaphore_mem>>, %arg13: memref<!tpu.dma_semaphore, #tpu.memory_space<semaphore_mem>>, %arg14: memref<!tpu.dma_semaphore, #tpu.memory_space<semaphore_mem>>) attributes {dimension_semantics = [#tpu.dimension_semantics<core_parallel>, #tpu.dimension_semantics<subcore_parallel>], iteration_bounds = array<i64: 2, 16>, scalar_prefetch = 0 : i64, scratch_operands = 10 : i64, tpu.core_type = #tpu.core_type<sc_vector_subcore>, window_params = [{transform_indices = #map}, {transform_indices = #map1}, {transform_indices = #map}]} {
    %mul3A = arith.constant 2 : i32
    %mul3A_0 = arith.muli %arg1, %mul3A : i32
    %add3A = arith.addi %mul3A_0, %arg0 : i32
    %mul3A_1 = arith.constant 512 : i32
    %mul3A_2 = arith.muli %add3A, %mul3A_1 : i32
    %add3A_3 = arith.constant 0 : i32
    %add3A_4 = arith.addi %mul3A_2, %add3A_3 : i32
    %dma_start3A = arith.constant 0 : i32
    %dma_start3A_5 = tpu.memref_slice %arg2[%dma_start3A, %add3A_4] : memref<200x16384xf32, #tpu.memory_space<hbm>> -> memref<200x128xf32, #tpu.memory_space<hbm>>
    %dma_start3A_6 = arith.constant 0 : i32
    %dma_start3A_7 = tpu.memref_slice %arg2[%dma_start3A_6, %add3A_4] : memref<200x16384xf32, #tpu.memory_space<hbm>> -> memref<200x128xf32, #tpu.memory_space<hbm>>
    tpu.enqueue_dma source(%dma_start3A_7 : memref<200x128xf32, #tpu.memory_space<hbm>>) target(%arg7 : memref<200x128xf32, #tpu.memory_space<vmem>>) target_semaphore(%arg11 : memref<!tpu.dma_semaphore, #tpu.memory_space<semaphore_mem>>)
    %add3A_8 = arith.constant 128 : i32
    %add3A_9 = arith.addi %mul3A_2, %add3A_8 : i32
    %dma_start3A_10 = arith.constant 0 : i32
    %dma_start3A_11 = tpu.memref_slice %arg2[%dma_start3A_10, %add3A_9] : memref<200x16384xf32, #tpu.memory_space<hbm>> -> memref<200x128xf32, #tpu.memory_space<hbm>>
    %dma_start3A_12 = arith.constant 0 : i32
    %dma_start3A_13 = tpu.memref_slice %arg2[%dma_start3A_12, %add3A_9] : memref<200x16384xf32, #tpu.memory_space<hbm>> -> memref<200x128xf32, #tpu.memory_space<hbm>>
    tpu.enqueue_dma source(%dma_start3A_13 : memref<200x128xf32, #tpu.memory_space<hbm>>) target(%arg8 : memref<200x128xf32, #tpu.memory_space<vmem>>) target_semaphore(%arg12 : memref<!tpu.dma_semaphore, #tpu.memory_space<semaphore_mem>>)
    "tpu.region"() ({
      %run_scoped3A = tpu.sem_alloc : memref<!tpu.dma_semaphore, #tpu.memory_space<semaphore_mem>>
      %dma_start3A_33 = arith.constant 0 : i32
      %dma_start3A_34 = tpu.memref_slice %arg5[%dma_start3A_33] : memref<1040xf32, #tpu.memory_space<vmem>> -> memref<1024xf32, #tpu.memory_space<vmem>>
      %dma_start3A_35 = arith.constant 0 : i32
      %dma_start3A_36 = tpu.memref_slice %arg5[%dma_start3A_35] : memref<1040xf32, #tpu.memory_space<vmem>> -> memref<1024xf32, #tpu.memory_space<vmem>>
      tpu.enqueue_dma source(%arg3 : memref<1024xf32, #tpu.memory_space<hbm>>) target(%dma_start3A_36 : memref<1024xf32, #tpu.memory_space<vmem>>) target_semaphore(%run_scoped3A : memref<!tpu.dma_semaphore, #tpu.memory_space<semaphore_mem>>)
      %dma_wait3A_37 = arith.constant 0 : i32
      %dma_wait3A_38 = tpu.memref_slice %arg5[%dma_wait3A_37] : memref<1040xf32, #tpu.memory_space<vmem>> -> memref<1024xf32, #tpu.memory_space<vmem>>
      %dma_wait3A_39 = arith.constant 0 : i32
      %dma_wait3A_40 = tpu.memref_slice %arg5[%dma_wait3A_39] : memref<1040xf32, #tpu.memory_space<vmem>> -> memref<1024xf32, #tpu.memory_space<vmem>>
      tpu.wait_dma2 semaphore(%run_scoped3A : memref<!tpu.dma_semaphore, #tpu.memory_space<semaphore_mem>>) src(%arg3 : memref<1024xf32, #tpu.memory_space<hbm>>) dst(%dma_wait3A_40 : memref<1024xf32, #tpu.memory_space<vmem>>)
      tpu.yield
    }) : () -> ()
    %broadcast_in_dim3A = arith.constant 1023 : i32
    %broadcast_in_dim3A_14 = vector.broadcast %broadcast_in_dim3A : i32 to vector<16xi32>
    %gather3A = tpu.vector_load_idx %arg5[%broadcast_in_dim3A_14] : memref<1040xf32, #tpu.memory_space<vmem>>[vector<16xi32>], vector<16xf32>,
    %swap3A = arith.constant 1024 : index
    %swap3A_15 = tpu.vector_load %arg5[%swap3A] {strides = array<i32>} : memref<1040xf32, #tpu.memory_space<vmem>>, vector<16xf32>,
    tpu.vector_store %arg5[%swap3A], %gather3A {strides = array<i32>} : memref<1040xf32, #tpu.memory_space<vmem>>, vector<16xf32>,
    %parallel_loop3A = arith.constant 0 : i32
    %parallel_loop3A_16 = arith.constant 1024 : i32
    %parallel_loop3A_17 = arith.constant 16 : i32
    scf.for %parallel_loop3A_33 = %parallel_loop3A to %parallel_loop3A_16 step %parallel_loop3A_17  : i32 {
      %parallel_loop3A_34 = arith.index_cast %parallel_loop3A_33 : i32 to index
      %parallel_loop3A_35 = tpu.vector_load %arg5[%parallel_loop3A_34] {strides = array<i32>} : memref<1040xf32, #tpu.memory_space<vmem>>, vector<16xf32>,
      %parallel_loop3A_36 = arith.constant 1 : i32
      %parallel_loop3A_37 = arith.addi %parallel_loop3A_33, %parallel_loop3A_36 : i32
      %parallel_loop3A_38 = arith.index_cast %parallel_loop3A_37 : i32 to index
      %parallel_loop3A_39 = tpu.vector_load %arg5[%parallel_loop3A_38] {strides = array<i32>} : memref<1040xf32, #tpu.memory_space<vmem>>, vector<16xf32>,
      %parallel_loop3A_40 = arith.subf %parallel_loop3A_39, %parallel_loop3A_35 : vector<16xf32>
      %parallel_loop3A_41 = arith.index_cast %parallel_loop3A_33 : i32 to index
      %parallel_loop3A_42 = tpu.vector_load %arg6[%parallel_loop3A_41] {strides = array<i32>} : memref<1024xf32, #tpu.memory_space<vmem>>, vector<16xf32>,
      tpu.vector_store %arg6[%parallel_loop3A_41], %parallel_loop3A_40 {strides = array<i32>} : memref<1024xf32, #tpu.memory_space<vmem>>, vector<16xf32>,
    } {sc.loop_unroll_factor = 1 : i64, sc.parallel_access}
    %scan3A = arith.constant 0 : i32
    %scan3A_18 = arith.constant 2 : i32
    %scan3A_19 = arith.addi %scan3A, %scan3A_18 : i32
    %scan3A_20 = arith.constant 1 : i32
    scf.for %scan3A_33 = %scan3A to %scan3A_19 step %scan3A_20  : i32 {
      %mul3A_34 = arith.constant 2 : i32
      %mul3A_35 = arith.muli %mul3A_34, %scan3A_33 : i32
      %add3A_36 = arith.constant 0 : i32
      %add3A_37 = arith.addi %mul3A_35, %add3A_36 : i32
      %mul3A_38 = arith.constant 128 : i32
      %mul3A_39 = arith.muli %add3A_37, %mul3A_38 : i32
      %add3A_40 = arith.addi %mul3A_2, %mul3A_39 : i32
      %dma_wait3A_41 = arith.constant 0 : i32
      %dma_wait3A_42 = tpu.memref_slice %arg2[%dma_wait3A_41, %add3A_40] : memref<200x16384xf32, #tpu.memory_space<hbm>> -> memref<200x128xf32, #tpu.memory_space<hbm>>
      %dma_wait3A_43 = arith.constant 0 : i32
      %dma_wait3A_44 = tpu.memref_slice %arg2[%dma_wait3A_43, %add3A_40] : memref<200x16384xf32, #tpu.memory_space<hbm>> -> memref<200x128xf32, #tpu.memory_space<hbm>>
      tpu.wait_dma2 semaphore(%arg11 : memref<!tpu.dma_semaphore, #tpu.memory_space<semaphore_mem>>) src(%dma_wait3A_44 : memref<200x128xf32, #tpu.memory_space<hbm>>) dst(%arg7 : memref<200x128xf32, #tpu.memory_space<vmem>>)
      %gt3A = arith.constant 0 : i32
      %gt3A_45 = arith.cmpi sgt, %scan3A_33, %gt3A : i32
      %convert_element_type3A = arith.extui %gt3A_45 : i1 to i32
      %cond3A = arith.constant 0 : i32
      %cond3A_46 = arith.cmpi ne, %convert_element_type3A, %cond3A : i32
      scf.if %cond3A_46 {
        %sub3A = arith.constant 2 : i32
        %sub3A_92 = arith.subi %add3A_37, %sub3A : i32
        %mul3A_93 = arith.constant 128 : i32
        %mul3A_94 = arith.muli %sub3A_92, %mul3A_93 : i32
        %add3A_95 = arith.addi %mul3A_2, %mul3A_94 : i32
        %dma_wait3A_96 = arith.constant 0 : i32
        %dma_wait3A_97 = tpu.memref_slice %arg4[%dma_wait3A_96, %add3A_95] : memref<200x16384xf32, #tpu.memory_space<hbm>> -> memref<200x128xf32, #tpu.memory_space<hbm>>
        %dma_wait3A_98 = arith.constant 0 : i32
        %dma_wait3A_99 = tpu.memref_slice %arg4[%dma_wait3A_98, %add3A_95] : memref<200x16384xf32, #tpu.memory_space<hbm>> -> memref<200x128xf32, #tpu.memory_space<hbm>>
        tpu.wait_dma2 semaphore(%arg13 : memref<!tpu.dma_semaphore, #tpu.memory_space<semaphore_mem>>) src(%arg9 : memref<200x128xf32, #tpu.memory_space<vmem>>) dst(%dma_wait3A_99 : memref<200x128xf32, #tpu.memory_space<hbm>>)
      } else {
      }
      %parallel_loop3A_47 = arith.constant 0 : i32
      %parallel_loop3A_48 = arith.constant 200 : i32
      %parallel_loop3A_49 = arith.constant 1 : i32
      scf.for %parallel_loop3A_92 = %parallel_loop3A_47 to %parallel_loop3A_48 step %parallel_loop3A_49  : i32 {
        %parallel_loop3A_93 = arith.index_cast %parallel_loop3A_92 : i32 to index
        %parallel_loop3A_94 = arith.constant 0 : index
        %parallel_loop3A_95 = tpu.vector_load %arg7[%parallel_loop3A_93, %parallel_loop3A_94] {strides = array<i32>} : memref<200x128xf32, #tpu.memory_space<vmem>>, vector<16xf32>,
        %parallel_loop3A_96 = arith.constant 1.023000e+02 : f32
        %parallel_loop3A_97 = vector.broadcast %parallel_loop3A_96 : f32 to vector<16xf32>
        %parallel_loop3A_98 = arith.mulf %parallel_loop3A_95, %parallel_loop3A_97 : vector<16xf32>
        %parallel_loop3A_99 = arith.fptosi %parallel_loop3A_98 : vector<16xf32> to vector<16xi32>
        %parallel_loop3A_100 = arith.sitofp %parallel_loop3A_99 : vector<16xi32> to vector<16xf32>
        %parallel_loop3A_101 = arith.subf %parallel_loop3A_98, %parallel_loop3A_100 : vector<16xf32>
        %parallel_loop3A_102 = tpu.vector_load_idx %arg5[%parallel_loop3A_99] : memref<1040xf32, #tpu.memory_space<vmem>>[vector<16xi32>], vector<16xf32>,
        %parallel_loop3A_103 = tpu.vector_load_idx %arg6[%parallel_loop3A_99] : memref<1024xf32, #tpu.memory_space<vmem>>[vector<16xi32>], vector<16xf32>,
        %parallel_loop3A_104 = arith.mulf %parallel_loop3A_101, %parallel_loop3A_103 : vector<16xf32>
        %parallel_loop3A_105 = arith.addf %parallel_loop3A_102, %parallel_loop3A_104 : vector<16xf32>
        %parallel_loop3A_106 = arith.index_cast %parallel_loop3A_92 : i32 to index
        %parallel_loop3A_107 = arith.constant 0 : index
        %parallel_loop3A_108 = tpu.vector_load %arg9[%parallel_loop3A_106, %parallel_loop3A_107] {strides = array<i32>} : memref<200x128xf32, #tpu.memory_space<vmem>>, vector<16xf32>,
        tpu.vector_store %arg9[%parallel_loop3A_106, %parallel_loop3A_107], %parallel_loop3A_105 {strides = array<i32>} : memref<200x128xf32, #tpu.memory_space<vmem>>, vector<16xf32>,
        %parallel_loop3A_109 = arith.index_cast %parallel_loop3A_92 : i32 to index
        %parallel_loop3A_110 = arith.constant 16 : index
        %parallel_loop3A_111 = tpu.vector_load %arg7[%parallel_loop3A_109, %parallel_loop3A_110] {strides = array<i32>} : memref<200x128xf32, #tpu.memory_space<vmem>>, vector<16xf32>,
        %parallel_loop3A_112 = arith.constant 1.023000e+02 : f32
        %parallel_loop3A_113 = vector.broadcast %parallel_loop3A_112 : f32 to vector<16xf32>
        %parallel_loop3A_114 = arith.mulf %parallel_loop3A_111, %parallel_loop3A_113 : vector<16xf32>
        %parallel_loop3A_115 = arith.fptosi %parallel_loop3A_114 : vector<16xf32> to vector<16xi32>
        %parallel_loop3A_116 = arith.sitofp %parallel_loop3A_115 : vector<16xi32> to vector<16xf32>
        %parallel_loop3A_117 = arith.subf %parallel_loop3A_114, %parallel_loop3A_116 : vector<16xf32>
        %parallel_loop3A_118 = tpu.vector_load_idx %arg5[%parallel_loop3A_115] : memref<1040xf32, #tpu.memory_space<vmem>>[vector<16xi32>], vector<16xf32>,
        %parallel_loop3A_119 = tpu.vector_load_idx %arg6[%parallel_loop3A_115] : memref<1024xf32, #tpu.memory_space<vmem>>[vector<16xi32>], vector<16xf32>,
        %parallel_loop3A_120 = arith.mulf %parallel_loop3A_117, %parallel_loop3A_119 : vector<16xf32>
        %parallel_loop3A_121 = arith.addf %parallel_loop3A_118, %parallel_loop3A_120 : vector<16xf32>
        %parallel_loop3A_122 = arith.index_cast %parallel_loop3A_92 : i32 to index
        %parallel_loop3A_123 = arith.constant 16 : index
        %parallel_loop3A_124 = tpu.vector_load %arg9[%parallel_loop3A_122, %parallel_loop3A_123] {strides = array<i32>} : memref<200x128xf32, #tpu.memory_space<vmem>>, vector<16xf32>,
        tpu.vector_store %arg9[%parallel_loop3A_122, %parallel_loop3A_123], %parallel_loop3A_121 {strides = array<i32>} : memref<200x128xf32, #tpu.memory_space<vmem>>, vector<16xf32>,
        %parallel_loop3A_125 = arith.index_cast %parallel_loop3A_92 : i32 to index
        %parallel_loop3A_126 = arith.constant 32 : index
        %parallel_loop3A_127 = tpu.vector_load %arg7[%parallel_loop3A_125, %parallel_loop3A_126] {strides = array<i32>} : memref<200x128xf32, #tpu.memory_space<vmem>>, vector<16xf32>,
        %parallel_loop3A_128 = arith.constant 1.023000e+02 : f32
        %parallel_loop3A_129 = vector.broadcast %parallel_loop3A_128 : f32 to vector<16xf32>
        %parallel_loop3A_130 = arith.mulf %parallel_loop3A_127, %parallel_loop3A_129 : vector<16xf32>
        %parallel_loop3A_131 = arith.fptosi %parallel_loop3A_130 : vector<16xf32> to vector<16xi32>
        %parallel_loop3A_132 = arith.sitofp %parallel_loop3A_131 : vector<16xi32> to vector<16xf32>
        %parallel_loop3A_133 = arith.subf %parallel_loop3A_130, %parallel_loop3A_132 : vector<16xf32>
        %parallel_loop3A_134 = tpu.vector_load_idx %arg5[%parallel_loop3A_131] : memref<1040xf32, #tpu.memory_space<vmem>>[vector<16xi32>], vector<16xf32>,
        %parallel_loop3A_135 = tpu.vector_load_idx %arg6[%parallel_loop3A_131] : memref<1024xf32, #tpu.memory_space<vmem>>[vector<16xi32>], vector<16xf32>,
        %parallel_loop3A_136 = arith.mulf %parallel_loop3A_133, %parallel_loop3A_135 : vector<16xf32>
        %parallel_loop3A_137 = arith.addf %parallel_loop3A_134, %parallel_loop3A_136 : vector<16xf32>
        %parallel_loop3A_138 = arith.index_cast %parallel_loop3A_92 : i32 to index
        %parallel_loop3A_139 = arith.constant 32 : index
        %parallel_loop3A_140 = tpu.vector_load %arg9[%parallel_loop3A_138, %parallel_loop3A_139] {strides = array<i32>} : memref<200x128xf32, #tpu.memory_space<vmem>>, vector<16xf32>,
        tpu.vector_store %arg9[%parallel_loop3A_138, %parallel_loop3A_139], %parallel_loop3A_137 {strides = array<i32>} : memref<200x128xf32, #tpu.memory_space<vmem>>, vector<16xf32>,
        %parallel_loop3A_141 = arith.index_cast %parallel_loop3A_92 : i32 to index
        %parallel_loop3A_142 = arith.constant 48 : index
        %parallel_loop3A_143 = tpu.vector_load %arg7[%parallel_loop3A_141, %parallel_loop3A_142] {strides = array<i32>} : memref<200x128xf32, #tpu.memory_space<vmem>>, vector<16xf32>,
        %parallel_loop3A_144 = arith.constant 1.023000e+02 : f32
        %parallel_loop3A_145 = vector.broadcast %parallel_loop3A_144 : f32 to vector<16xf32>
        %parallel_loop3A_146 = arith.mulf %parallel_loop3A_143, %parallel_loop3A_145 : vector<16xf32>
        %parallel_loop3A_147 = arith.fptosi %parallel_loop3A_146 : vector<16xf32> to vector<16xi32>
        %parallel_loop3A_148 = arith.sitofp %parallel_loop3A_147 : vector<16xi32> to vector<16xf32>
        %parallel_loop3A_149 = arith.subf %parallel_loop3A_146, %parallel_loop3A_148 : vector<16xf32>
        %parallel_loop3A_150 = tpu.vector_load_idx %arg5[%parallel_loop3A_147] : memref<1040xf32, #tpu.memory_space<vmem>>[vector<16xi32>], vector<16xf32>,
        %parallel_loop3A_151 = tpu.vector_load_idx %arg6[%parallel_loop3A_147] : memref<1024xf32, #tpu.memory_space<vmem>>[vector<16xi32>], vector<16xf32>,
        %parallel_loop3A_152 = arith.mulf %parallel_loop3A_149, %parallel_loop3A_151 : vector<16xf32>
        %parallel_loop3A_153 = arith.addf %parallel_loop3A_150, %parallel_loop3A_152 : vector<16xf32>
        %parallel_loop3A_154 = arith.index_cast %parallel_loop3A_92 : i32 to index
        %parallel_loop3A_155 = arith.constant 48 : index
        %parallel_loop3A_156 = tpu.vector_load %arg9[%parallel_loop3A_154, %parallel_loop3A_155] {strides = array<i32>} : memref<200x128xf32, #tpu.memory_space<vmem>>, vector<16xf32>,
        tpu.vector_store %arg9[%parallel_loop3A_154, %parallel_loop3A_155], %parallel_loop3A_153 {strides = array<i32>} : memref<200x128xf32, #tpu.memory_space<vmem>>, vector<16xf32>,
        %parallel_loop3A_157 = arith.index_cast %parallel_loop3A_92 : i32 to index
        %parallel_loop3A_158 = arith.constant 64 : index
        %parallel_loop3A_159 = tpu.vector_load %arg7[%parallel_loop3A_157, %parallel_loop3A_158] {strides = array<i32>} : memref<200x128xf32, #tpu.memory_space<vmem>>, vector<16xf32>,
        %parallel_loop3A_160 = arith.constant 1.023000e+02 : f32
        %parallel_loop3A_161 = vector.broadcast %parallel_loop3A_160 : f32 to vector<16xf32>
        %parallel_loop3A_162 = arith.mulf %parallel_loop3A_159, %parallel_loop3A_161 : vector<16xf32>
        %parallel_loop3A_163 = arith.fptosi %parallel_loop3A_162 : vector<16xf32> to vector<16xi32>
        %parallel_loop3A_164 = arith.sitofp %parallel_loop3A_163 : vector<16xi32> to vector<16xf32>
        %parallel_loop3A_165 = arith.subf %parallel_loop3A_162, %parallel_loop3A_164 : vector<16xf32>
        %parallel_loop3A_166 = tpu.vector_load_idx %arg5[%parallel_loop3A_163] : memref<1040xf32, #tpu.memory_space<vmem>>[vector<16xi32>], vector<16xf32>,
        %parallel_loop3A_167 = tpu.vector_load_idx %arg6[%parallel_loop3A_163] : memref<1024xf32, #tpu.memory_space<vmem>>[vector<16xi32>], vector<16xf32>,
        %parallel_loop3A_168 = arith.mulf %parallel_loop3A_165, %parallel_loop3A_167 : vector<16xf32>
        %parallel_loop3A_169 = arith.addf %parallel_loop3A_166, %parallel_loop3A_168 : vector<16xf32>
        %parallel_loop3A_170 = arith.index_cast %parallel_loop3A_92 : i32 to index
        %parallel_loop3A_171 = arith.constant 64 : index
        %parallel_loop3A_172 = tpu.vector_load %arg9[%parallel_loop3A_170, %parallel_loop3A_171] {strides = array<i32>} : memref<200x128xf32, #tpu.memory_space<vmem>>, vector<16xf32>,
        tpu.vector_store %arg9[%parallel_loop3A_170, %parallel_loop3A_171], %parallel_loop3A_169 {strides = array<i32>} : memref<200x128xf32, #tpu.memory_space<vmem>>, vector<16xf32>,
        %parallel_loop3A_173 = arith.index_cast %parallel_loop3A_92 : i32 to index
        %parallel_loop3A_174 = arith.constant 80 : index
        %parallel_loop3A_175 = tpu.vector_load %arg7[%parallel_loop3A_173, %parallel_loop3A_174] {strides = array<i32>} : memref<200x128xf32, #tpu.memory_space<vmem>>, vector<16xf32>,
        %parallel_loop3A_176 = arith.constant 1.023000e+02 : f32
        %parallel_loop3A_177 = vector.broadcast %parallel_loop3A_176 : f32 to vector<16xf32>
        %parallel_loop3A_178 = arith.mulf %parallel_loop3A_175, %parallel_loop3A_177 : vector<16xf32>
        %parallel_loop3A_179 = arith.fptosi %parallel_loop3A_178 : vector<16xf32> to vector<16xi32>
        %parallel_loop3A_180 = arith.sitofp %parallel_loop3A_179 : vector<16xi32> to vector<16xf32>
        %parallel_loop3A_181 = arith.subf %parallel_loop3A_178, %parallel_loop3A_180 : vector<16xf32>
        %parallel_loop3A_182 = tpu.vector_load_idx %arg5[%parallel_loop3A_179] : memref<1040xf32, #tpu.memory_space<vmem>>[vector<16xi32>], vector<16xf32>,
        %parallel_loop3A_183 = tpu.vector_load_idx %arg6[%parallel_loop3A_179] : memref<1024xf32, #tpu.memory_space<vmem>>[vector<16xi32>], vector<16xf32>,
        %parallel_loop3A_184 = arith.mulf %parallel_loop3A_181, %parallel_loop3A_183 : vector<16xf32>
        %parallel_loop3A_185 = arith.addf %parallel_loop3A_182, %parallel_loop3A_184 : vector<16xf32>
        %parallel_loop3A_186 = arith.index_cast %parallel_loop3A_92 : i32 to index
        %parallel_loop3A_187 = arith.constant 80 : index
        %parallel_loop3A_188 = tpu.vector_load %arg9[%parallel_loop3A_186, %parallel_loop3A_187] {strides = array<i32>} : memref<200x128xf32, #tpu.memory_space<vmem>>, vector<16xf32>,
        tpu.vector_store %arg9[%parallel_loop3A_186, %parallel_loop3A_187], %parallel_loop3A_185 {strides = array<i32>} : memref<200x128xf32, #tpu.memory_space<vmem>>, vector<16xf32>,
        %parallel_loop3A_189 = arith.index_cast %parallel_loop3A_92 : i32 to index
        %parallel_loop3A_190 = arith.constant 96 : index
        %parallel_loop3A_191 = tpu.vector_load %arg7[%parallel_loop3A_189, %parallel_loop3A_190] {strides = array<i32>} : memref<200x128xf32, #tpu.memory_space<vmem>>, vector<16xf32>,
        %parallel_loop3A_192 = arith.constant 1.023000e+02 : f32
        %parallel_loop3A_193 = vector.broadcast %parallel_loop3A_192 : f32 to vector<16xf32>
        %parallel_loop3A_194 = arith.mulf %parallel_loop3A_191, %parallel_loop3A_193 : vector<16xf32>
        %parallel_loop3A_195 = arith.fptosi %parallel_loop3A_194 : vector<16xf32> to vector<16xi32>
        %parallel_loop3A_196 = arith.sitofp %parallel_loop3A_195 : vector<16xi32> to vector<16xf32>
        %parallel_loop3A_197 = arith.subf %parallel_loop3A_194, %parallel_loop3A_196 : vector<16xf32>
        %parallel_loop3A_198 = tpu.vector_load_idx %arg5[%parallel_loop3A_195] : memref<1040xf32, #tpu.memory_space<vmem>>[vector<16xi32>], vector<16xf32>,
        %parallel_loop3A_199 = tpu.vector_load_idx %arg6[%parallel_loop3A_195] : memref<1024xf32, #tpu.memory_space<vmem>>[vector<16xi32>], vector<16xf32>,
        %parallel_loop3A_200 = arith.mulf %parallel_loop3A_197, %parallel_loop3A_199 : vector<16xf32>
        %parallel_loop3A_201 = arith.addf %parallel_loop3A_198, %parallel_loop3A_200 : vector<16xf32>
        %parallel_loop3A_202 = arith.index_cast %parallel_loop3A_92 : i32 to index
        %parallel_loop3A_203 = arith.constant 96 : index
        %parallel_loop3A_204 = tpu.vector_load %arg9[%parallel_loop3A_202, %parallel_loop3A_203] {strides = array<i32>} : memref<200x128xf32, #tpu.memory_space<vmem>>, vector<16xf32>,
        tpu.vector_store %arg9[%parallel_loop3A_202, %parallel_loop3A_203], %parallel_loop3A_201 {strides = array<i32>} : memref<200x128xf32, #tpu.memory_space<vmem>>, vector<16xf32>,
        %parallel_loop3A_205 = arith.index_cast %parallel_loop3A_92 : i32 to index
        %parallel_loop3A_206 = arith.constant 112 : index
        %parallel_loop3A_207 = tpu.vector_load %arg7[%parallel_loop3A_205, %parallel_loop3A_206] {strides = array<i32>} : memref<200x128xf32, #tpu.memory_space<vmem>>, vector<16xf32>,
        %parallel_loop3A_208 = arith.constant 1.023000e+02 : f32
        %parallel_loop3A_209 = vector.broadcast %parallel_loop3A_208 : f32 to vector<16xf32>
        %parallel_loop3A_210 = arith.mulf %parallel_loop3A_207, %parallel_loop3A_209 : vector<16xf32>
        %parallel_loop3A_211 = arith.fptosi %parallel_loop3A_210 : vector<16xf32> to vector<16xi32>
        %parallel_loop3A_212 = arith.sitofp %parallel_loop3A_211 : vector<16xi32> to vector<16xf32>
        %parallel_loop3A_213 = arith.subf %parallel_loop3A_210, %parallel_loop3A_212 : vector<16xf32>
        %parallel_loop3A_214 = tpu.vector_load_idx %arg5[%parallel_loop3A_211] : memref<1040xf32, #tpu.memory_space<vmem>>[vector<16xi32>], vector<16xf32>,
        %parallel_loop3A_215 = tpu.vector_load_idx %arg6[%parallel_loop3A_211] : memref<1024xf32, #tpu.memory_space<vmem>>[vector<16xi32>], vector<16xf32>,
        %parallel_loop3A_216 = arith.mulf %parallel_loop3A_213, %parallel_loop3A_215 : vector<16xf32>
        %parallel_loop3A_217 = arith.addf %parallel_loop3A_214, %parallel_loop3A_216 : vector<16xf32>
        %parallel_loop3A_218 = arith.index_cast %parallel_loop3A_92 : i32 to index
        %parallel_loop3A_219 = arith.constant 112 : index
        %parallel_loop3A_220 = tpu.vector_load %arg9[%parallel_loop3A_218, %parallel_loop3A_219] {strides = array<i32>} : memref<200x128xf32, #tpu.memory_space<vmem>>, vector<16xf32>,
        tpu.vector_store %arg9[%parallel_loop3A_218, %parallel_loop3A_219], %parallel_loop3A_217 {strides = array<i32>} : memref<200x128xf32, #tpu.memory_space<vmem>>, vector<16xf32>,
      } {sc.loop_unroll_factor = 1 : i64, sc.parallel_access}
      %mul3A_50 = arith.constant 128 : i32
      %mul3A_51 = arith.muli %add3A_37, %mul3A_50 : i32
      %add3A_52 = arith.addi %mul3A_2, %mul3A_51 : i32
      %dma_start3A_53 = arith.constant 0 : i32
      %dma_start3A_54 = tpu.memref_slice %arg4[%dma_start3A_53, %add3A_52] : memref<200x16384xf32, #tpu.memory_space<hbm>> -> memref<200x128xf32, #tpu.memory_space<hbm>>
      %dma_start3A_55 = arith.constant 0 : i32
      %dma_start3A_56 = tpu.memref_slice %arg4[%dma_start3A_55, %add3A_52] : memref<200x16384xf32, #tpu.memory_space<hbm>> -> memref<200x128xf32, #tpu.memory_space<hbm>>
      tpu.enqueue_dma source(%arg9 : memref<200x128xf32, #tpu.memory_space<vmem>>) target(%dma_start3A_56 : memref<200x128xf32, #tpu.memory_space<hbm>>) target_semaphore(%arg13 : memref<!tpu.dma_semaphore, #tpu.memory_space<semaphore_mem>>)
      %lt3A = arith.constant 1 : i32
      %lt3A_57 = arith.cmpi slt, %scan3A_33, %lt3A : i32
      %convert_element_type3A_58 = arith.extui %lt3A_57 : i1 to i32
      %cond3A_59 = arith.constant 0 : i32
      %cond3A_60 = arith.cmpi ne, %convert_element_type3A_58, %cond3A_59 : i32
      scf.if %cond3A_60 {
        %add3A_92 = arith.constant 2 : i32
        %add3A_93 = arith.addi %add3A_37, %add3A_92 : i32
        %mul3A_94 = arith.constant 128 : i32
        %mul3A_95 = arith.muli %add3A_93, %mul3A_94 : i32
        %add3A_96 = arith.addi %mul3A_2, %mul3A_95 : i32
        %dma_start3A_97 = arith.constant 0 : i32
        %dma_start3A_98 = tpu.memref_slice %arg2[%dma_start3A_97, %add3A_96] : memref<200x16384xf32, #tpu.memory_space<hbm>> -> memref<200x128xf32, #tpu.memory_space<hbm>>
        %dma_start3A_99 = arith.constant 0 : i32
        %dma_start3A_100 = tpu.memref_slice %arg2[%dma_start3A_99, %add3A_96] : memref<200x16384xf32, #tpu.memory_space<hbm>> -> memref<200x128xf32, #tpu.memory_space<hbm>>
        tpu.enqueue_dma source(%dma_start3A_100 : memref<200x128xf32, #tpu.memory_space<hbm>>) target(%arg7 : memref<200x128xf32, #tpu.memory_space<vmem>>) target_semaphore(%arg11 : memref<!tpu.dma_semaphore, #tpu.memory_space<semaphore_mem>>)
      } else {
      }
      %mul3A_61 = arith.constant 2 : i32
      %mul3A_62 = arith.muli %mul3A_61, %scan3A_33 : i32
      %add3A_63 = arith.constant 1 : i32
      %add3A_64 = arith.addi %mul3A_62, %add3A_63 : i32
      %mul3A_65 = arith.constant 128 : i32
      %mul3A_66 = arith.muli %add3A_64, %mul3A_65 : i32
      %add3A_67 = arith.addi %mul3A_2, %mul3A_66 : i32
      %dma_wait3A_68 = arith.constant 0 : i32
      %dma_wait3A_69 = tpu.memref_slice %arg2[%dma_wait3A_68, %add3A_67] : memref<200x16384xf32, #tpu.memory_space<hbm>> -> memref<200x128xf32, #tpu.memory_space<hbm>>
      %dma_wait3A_70 = arith.constant 0 : i32
      %dma_wait3A_71 = tpu.memref_slice %arg2[%dma_wait3A_70, %add3A_67] : memref<200x16384xf32, #tpu.memory_space<hbm>> -> memref<200x128xf32, #tpu.memory_space<hbm>>
      tpu.wait_dma2 semaphore(%arg12 : memref<!tpu.dma_semaphore, #tpu.memory_space<semaphore_mem>>) src(%dma_wait3A_71 : memref<200x128xf32, #tpu.memory_space<hbm>>) dst(%arg8 : memref<200x128xf32, #tpu.memory_space<vmem>>)
      %gt3A_72 = arith.constant 0 : i32
      %gt3A_73 = arith.cmpi sgt, %scan3A_33, %gt3A_72 : i32
      %convert_element_type3A_74 = arith.extui %gt3A_73 : i1 to i32
      %cond3A_75 = arith.constant 0 : i32
      %cond3A_76 = arith.cmpi ne, %convert_element_type3A_74, %cond3A_75 : i32
      scf.if %cond3A_76 {
        %sub3A = arith.constant 2 : i32
        %sub3A_92 = arith.subi %add3A_64, %sub3A : i32
        %mul3A_93 = arith.constant 128 : i32
        %mul3A_94 = arith.muli %sub3A_92, %mul3A_93 : i32
        %add3A_95 = arith.addi %mul3A_2, %mul3A_94 : i32
        %dma_wait3A_96 = arith.constant 0 : i32
        %dma_wait3A_97 = tpu.memref_slice %arg4[%dma_wait3A_96, %add3A_95] : memref<200x16384xf32, #tpu.memory_space<hbm>> -> memref<200x128xf32, #tpu.memory_space<hbm>>
        %dma_wait3A_98 = arith.constant 0 : i32
        %dma_wait3A_99 = tpu.memref_slice %arg4[%dma_wait3A_98, %add3A_95] : memref<200x16384xf32, #tpu.memory_space<hbm>> -> memref<200x128xf32, #tpu.memory_space<hbm>>
        tpu.wait_dma2 semaphore(%arg14 : memref<!tpu.dma_semaphore, #tpu.memory_space<semaphore_mem>>) src(%arg10 : memref<200x128xf32, #tpu.memory_space<vmem>>) dst(%dma_wait3A_99 : memref<200x128xf32, #tpu.memory_space<hbm>>)
      } else {
      }
      %parallel_loop3A_77 = arith.constant 0 : i32
      %parallel_loop3A_78 = arith.constant 200 : i32
      %parallel_loop3A_79 = arith.constant 1 : i32
      scf.for %parallel_loop3A_92 = %parallel_loop3A_77 to %parallel_loop3A_78 step %parallel_loop3A_79  : i32 {
        %parallel_loop3A_93 = arith.index_cast %parallel_loop3A_92 : i32 to index
        %parallel_loop3A_94 = arith.constant 0 : index
        %parallel_loop3A_95 = tpu.vector_load %arg8[%parallel_loop3A_93, %parallel_loop3A_94] {strides = array<i32>} : memref<200x128xf32, #tpu.memory_space<vmem>>, vector<16xf32>,
        %parallel_loop3A_96 = arith.constant 1.023000e+02 : f32
        %parallel_loop3A_97 = vector.broadcast %parallel_loop3A_96 : f32 to vector<16xf32>
        %parallel_loop3A_98 = arith.mulf %parallel_loop3A_95, %parallel_loop3A_97 : vector<16xf32>
        %parallel_loop3A_99 = arith.fptosi %parallel_loop3A_98 : vector<16xf32> to vector<16xi32>
        %parallel_loop3A_100 = arith.sitofp %parallel_loop3A_99 : vector<16xi32> to vector<16xf32>
        %parallel_loop3A_101 = arith.subf %parallel_loop3A_98, %parallel_loop3A_100 : vector<16xf32>
        %parallel_loop3A_102 = tpu.vector_load_idx %arg5[%parallel_loop3A_99] : memref<1040xf32, #tpu.memory_space<vmem>>[vector<16xi32>], vector<16xf32>,
        %parallel_loop3A_103 = tpu.vector_load_idx %arg6[%parallel_loop3A_99] : memref<1024xf32, #tpu.memory_space<vmem>>[vector<16xi32>], vector<16xf32>,
        %parallel_loop3A_104 = arith.mulf %parallel_loop3A_101, %parallel_loop3A_103 : vector<16xf32>
        %parallel_loop3A_105 = arith.addf %parallel_loop3A_102, %parallel_loop3A_104 : vector<16xf32>
        %parallel_loop3A_106 = arith.index_cast %parallel_loop3A_92 : i32 to index
        %parallel_loop3A_107 = arith.constant 0 : index
        %parallel_loop3A_108 = tpu.vector_load %arg10[%parallel_loop3A_106, %parallel_loop3A_107] {strides = array<i32>} : memref<200x128xf32, #tpu.memory_space<vmem>>, vector<16xf32>,
        tpu.vector_store %arg10[%parallel_loop3A_106, %parallel_loop3A_107], %parallel_loop3A_105 {strides = array<i32>} : memref<200x128xf32, #tpu.memory_space<vmem>>, vector<16xf32>,
        %parallel_loop3A_109 = arith.index_cast %parallel_loop3A_92 : i32 to index
        %parallel_loop3A_110 = arith.constant 16 : index
        %parallel_loop3A_111 = tpu.vector_load %arg8[%parallel_loop3A_109, %parallel_loop3A_110] {strides = array<i32>} : memref<200x128xf32, #tpu.memory_space<vmem>>, vector<16xf32>,
        %parallel_loop3A_112 = arith.constant 1.023000e+02 : f32
        %parallel_loop3A_113 = vector.broadcast %parallel_loop3A_112 : f32 to vector<16xf32>
        %parallel_loop3A_114 = arith.mulf %parallel_loop3A_111, %parallel_loop3A_113 : vector<16xf32>
        %parallel_loop3A_115 = arith.fptosi %parallel_loop3A_114 : vector<16xf32> to vector<16xi32>
        %parallel_loop3A_116 = arith.sitofp %parallel_loop3A_115 : vector<16xi32> to vector<16xf32>
        %parallel_loop3A_117 = arith.subf %parallel_loop3A_114, %parallel_loop3A_116 : vector<16xf32>
        %parallel_loop3A_118 = tpu.vector_load_idx %arg5[%parallel_loop3A_115] : memref<1040xf32, #tpu.memory_space<vmem>>[vector<16xi32>], vector<16xf32>,
        %parallel_loop3A_119 = tpu.vector_load_idx %arg6[%parallel_loop3A_115] : memref<1024xf32, #tpu.memory_space<vmem>>[vector<16xi32>], vector<16xf32>,
        %parallel_loop3A_120 = arith.mulf %parallel_loop3A_117, %parallel_loop3A_119 : vector<16xf32>
        %parallel_loop3A_121 = arith.addf %parallel_loop3A_118, %parallel_loop3A_120 : vector<16xf32>
        %parallel_loop3A_122 = arith.index_cast %parallel_loop3A_92 : i32 to index
        %parallel_loop3A_123 = arith.constant 16 : index
        %parallel_loop3A_124 = tpu.vector_load %arg10[%parallel_loop3A_122, %parallel_loop3A_123] {strides = array<i32>} : memref<200x128xf32, #tpu.memory_space<vmem>>, vector<16xf32>,
        tpu.vector_store %arg10[%parallel_loop3A_122, %parallel_loop3A_123], %parallel_loop3A_121 {strides = array<i32>} : memref<200x128xf32, #tpu.memory_space<vmem>>, vector<16xf32>,
        %parallel_loop3A_125 = arith.index_cast %parallel_loop3A_92 : i32 to index
        %parallel_loop3A_126 = arith.constant 32 : index
        %parallel_loop3A_127 = tpu.vector_load %arg8[%parallel_loop3A_125, %parallel_loop3A_126] {strides = array<i32>} : memref<200x128xf32, #tpu.memory_space<vmem>>, vector<16xf32>,
        %parallel_loop3A_128 = arith.constant 1.023000e+02 : f32
        %parallel_loop3A_129 = vector.broadcast %parallel_loop3A_128 : f32 to vector<16xf32>
        %parallel_loop3A_130 = arith.mulf %parallel_loop3A_127, %parallel_loop3A_129 : vector<16xf32>
        %parallel_loop3A_131 = arith.fptosi %parallel_loop3A_130 : vector<16xf32> to vector<16xi32>
        %parallel_loop3A_132 = arith.sitofp %parallel_loop3A_131 : vector<16xi32> to vector<16xf32>
        %parallel_loop3A_133 = arith.subf %parallel_loop3A_130, %parallel_loop3A_132 : vector<16xf32>
        %parallel_loop3A_134 = tpu.vector_load_idx %arg5[%parallel_loop3A_131] : memref<1040xf32, #tpu.memory_space<vmem>>[vector<16xi32>], vector<16xf32>,
        %parallel_loop3A_135 = tpu.vector_load_idx %arg6[%parallel_loop3A_131] : memref<1024xf32, #tpu.memory_space<vmem>>[vector<16xi32>], vector<16xf32>,
        %parallel_loop3A_136 = arith.mulf %parallel_loop3A_133, %parallel_loop3A_135 : vector<16xf32>
        %parallel_loop3A_137 = arith.addf %parallel_loop3A_134, %parallel_loop3A_136 : vector<16xf32>
        %parallel_loop3A_138 = arith.index_cast %parallel_loop3A_92 : i32 to index
        %parallel_loop3A_139 = arith.constant 32 : index
        %parallel_loop3A_140 = tpu.vector_load %arg10[%parallel_loop3A_138, %parallel_loop3A_139] {strides = array<i32>} : memref<200x128xf32, #tpu.memory_space<vmem>>, vector<16xf32>,
        tpu.vector_store %arg10[%parallel_loop3A_138, %parallel_loop3A_139], %parallel_loop3A_137 {strides = array<i32>} : memref<200x128xf32, #tpu.memory_space<vmem>>, vector<16xf32>,
        %parallel_loop3A_141 = arith.index_cast %parallel_loop3A_92 : i32 to index
        %parallel_loop3A_142 = arith.constant 48 : index
        %parallel_loop3A_143 = tpu.vector_load %arg8[%parallel_loop3A_141, %parallel_loop3A_142] {strides = array<i32>} : memref<200x128xf32, #tpu.memory_space<vmem>>, vector<16xf32>,
        %parallel_loop3A_144 = arith.constant 1.023000e+02 : f32
        %parallel_loop3A_145 = vector.broadcast %parallel_loop3A_144 : f32 to vector<16xf32>
        %parallel_loop3A_146 = arith.mulf %parallel_loop3A_143, %parallel_loop3A_145 : vector<16xf32>
        %parallel_loop3A_147 = arith.fptosi %parallel_loop3A_146 : vector<16xf32> to vector<16xi32>
        %parallel_loop3A_148 = arith.sitofp %parallel_loop3A_147 : vector<16xi32> to vector<16xf32>
        %parallel_loop3A_149 = arith.subf %parallel_loop3A_146, %parallel_loop3A_148 : vector<16xf32>
        %parallel_loop3A_150 = tpu.vector_load_idx %arg5[%parallel_loop3A_147] : memref<1040xf32, #tpu.memory_space<vmem>>[vector<16xi32>], vector<16xf32>,
        %parallel_loop3A_151 = tpu.vector_load_idx %arg6[%parallel_loop3A_147] : memref<1024xf32, #tpu.memory_space<vmem>>[vector<16xi32>], vector<16xf32>,
        %parallel_loop3A_152 = arith.mulf %parallel_loop3A_149, %parallel_loop3A_151 : vector<16xf32>
        %parallel_loop3A_153 = arith.addf %parallel_loop3A_150, %parallel_loop3A_152 : vector<16xf32>
        %parallel_loop3A_154 = arith.index_cast %parallel_loop3A_92 : i32 to index
        %parallel_loop3A_155 = arith.constant 48 : index
        %parallel_loop3A_156 = tpu.vector_load %arg10[%parallel_loop3A_154, %parallel_loop3A_155] {strides = array<i32>} : memref<200x128xf32, #tpu.memory_space<vmem>>, vector<16xf32>,
        tpu.vector_store %arg10[%parallel_loop3A_154, %parallel_loop3A_155], %parallel_loop3A_153 {strides = array<i32>} : memref<200x128xf32, #tpu.memory_space<vmem>>, vector<16xf32>,
        %parallel_loop3A_157 = arith.index_cast %parallel_loop3A_92 : i32 to index
        %parallel_loop3A_158 = arith.constant 64 : index
        %parallel_loop3A_159 = tpu.vector_load %arg8[%parallel_loop3A_157, %parallel_loop3A_158] {strides = array<i32>} : memref<200x128xf32, #tpu.memory_space<vmem>>, vector<16xf32>,
        %parallel_loop3A_160 = arith.constant 1.023000e+02 : f32
        %parallel_loop3A_161 = vector.broadcast %parallel_loop3A_160 : f32 to vector<16xf32>
        %parallel_loop3A_162 = arith.mulf %parallel_loop3A_159, %parallel_loop3A_161 : vector<16xf32>
        %parallel_loop3A_163 = arith.fptosi %parallel_loop3A_162 : vector<16xf32> to vector<16xi32>
        %parallel_loop3A_164 = arith.sitofp %parallel_loop3A_163 : vector<16xi32> to vector<16xf32>
        %parallel_loop3A_165 = arith.subf %parallel_loop3A_162, %parallel_loop3A_164 : vector<16xf32>
        %parallel_loop3A_166 = tpu.vector_load_idx %arg5[%parallel_loop3A_163] : memref<1040xf32, #tpu.memory_space<vmem>>[vector<16xi32>], vector<16xf32>,
        %parallel_loop3A_167 = tpu.vector_load_idx %arg6[%parallel_loop3A_163] : memref<1024xf32, #tpu.memory_space<vmem>>[vector<16xi32>], vector<16xf32>,
        %parallel_loop3A_168 = arith.mulf %parallel_loop3A_165, %parallel_loop3A_167 : vector<16xf32>
        %parallel_loop3A_169 = arith.addf %parallel_loop3A_166, %parallel_loop3A_168 : vector<16xf32>
        %parallel_loop3A_170 = arith.index_cast %parallel_loop3A_92 : i32 to index
        %parallel_loop3A_171 = arith.constant 64 : index
        %parallel_loop3A_172 = tpu.vector_load %arg10[%parallel_loop3A_170, %parallel_loop3A_171] {strides = array<i32>} : memref<200x128xf32, #tpu.memory_space<vmem>>, vector<16xf32>,
        tpu.vector_store %arg10[%parallel_loop3A_170, %parallel_loop3A_171], %parallel_loop3A_169 {strides = array<i32>} : memref<200x128xf32, #tpu.memory_space<vmem>>, vector<16xf32>,
        %parallel_loop3A_173 = arith.index_cast %parallel_loop3A_92 : i32 to index
        %parallel_loop3A_174 = arith.constant 80 : index
        %parallel_loop3A_175 = tpu.vector_load %arg8[%parallel_loop3A_173, %parallel_loop3A_174] {strides = array<i32>} : memref<200x128xf32, #tpu.memory_space<vmem>>, vector<16xf32>,
        %parallel_loop3A_176 = arith.constant 1.023000e+02 : f32
        %parallel_loop3A_177 = vector.broadcast %parallel_loop3A_176 : f32 to vector<16xf32>
        %parallel_loop3A_178 = arith.mulf %parallel_loop3A_175, %parallel_loop3A_177 : vector<16xf32>
        %parallel_loop3A_179 = arith.fptosi %parallel_loop3A_178 : vector<16xf32> to vector<16xi32>
        %parallel_loop3A_180 = arith.sitofp %parallel_loop3A_179 : vector<16xi32> to vector<16xf32>
        %parallel_loop3A_181 = arith.subf %parallel_loop3A_178, %parallel_loop3A_180 : vector<16xf32>
        %parallel_loop3A_182 = tpu.vector_load_idx %arg5[%parallel_loop3A_179] : memref<1040xf32, #tpu.memory_space<vmem>>[vector<16xi32>], vector<16xf32>,
        %parallel_loop3A_183 = tpu.vector_load_idx %arg6[%parallel_loop3A_179] : memref<1024xf32, #tpu.memory_space<vmem>>[vector<16xi32>], vector<16xf32>,
        %parallel_loop3A_184 = arith.mulf %parallel_loop3A_181, %parallel_loop3A_183 : vector<16xf32>
        %parallel_loop3A_185 = arith.addf %parallel_loop3A_182, %parallel_loop3A_184 : vector<16xf32>
        %parallel_loop3A_186 = arith.index_cast %parallel_loop3A_92 : i32 to index
        %parallel_loop3A_187 = arith.constant 80 : index
        %parallel_loop3A_188 = tpu.vector_load %arg10[%parallel_loop3A_186, %parallel_loop3A_187] {strides = array<i32>} : memref<200x128xf32, #tpu.memory_space<vmem>>, vector<16xf32>,
        tpu.vector_store %arg10[%parallel_loop3A_186, %parallel_loop3A_187], %parallel_loop3A_185 {strides = array<i32>} : memref<200x128xf32, #tpu.memory_space<vmem>>, vector<16xf32>,
        %parallel_loop3A_189 = arith.index_cast %parallel_loop3A_92 : i32 to index
        %parallel_loop3A_190 = arith.constant 96 : index
        %parallel_loop3A_191 = tpu.vector_load %arg8[%parallel_loop3A_189, %parallel_loop3A_190] {strides = array<i32>} : memref<200x128xf32, #tpu.memory_space<vmem>>, vector<16xf32>,
        %parallel_loop3A_192 = arith.constant 1.023000e+02 : f32
        %parallel_loop3A_193 = vector.broadcast %parallel_loop3A_192 : f32 to vector<16xf32>
        %parallel_loop3A_194 = arith.mulf %parallel_loop3A_191, %parallel_loop3A_193 : vector<16xf32>
        %parallel_loop3A_195 = arith.fptosi %parallel_loop3A_194 : vector<16xf32> to vector<16xi32>
        %parallel_loop3A_196 = arith.sitofp %parallel_loop3A_195 : vector<16xi32> to vector<16xf32>
        %parallel_loop3A_197 = arith.subf %parallel_loop3A_194, %parallel_loop3A_196 : vector<16xf32>
        %parallel_loop3A_198 = tpu.vector_load_idx %arg5[%parallel_loop3A_195] : memref<1040xf32, #tpu.memory_space<vmem>>[vector<16xi32>], vector<16xf32>,
        %parallel_loop3A_199 = tpu.vector_load_idx %arg6[%parallel_loop3A_195] : memref<1024xf32, #tpu.memory_space<vmem>>[vector<16xi32>], vector<16xf32>,
        %parallel_loop3A_200 = arith.mulf %parallel_loop3A_197, %parallel_loop3A_199 : vector<16xf32>
        %parallel_loop3A_201 = arith.addf %parallel_loop3A_198, %parallel_loop3A_200 : vector<16xf32>
        %parallel_loop3A_202 = arith.index_cast %parallel_loop3A_92 : i32 to index
        %parallel_loop3A_203 = arith.constant 96 : index
        %parallel_loop3A_204 = tpu.vector_load %arg10[%parallel_loop3A_202, %parallel_loop3A_203] {strides = array<i32>} : memref<200x128xf32, #tpu.memory_space<vmem>>, vector<16xf32>,
        tpu.vector_store %arg10[%parallel_loop3A_202, %parallel_loop3A_203], %parallel_loop3A_201 {strides = array<i32>} : memref<200x128xf32, #tpu.memory_space<vmem>>, vector<16xf32>,
        %parallel_loop3A_205 = arith.index_cast %parallel_loop3A_92 : i32 to index
        %parallel_loop3A_206 = arith.constant 112 : index
        %parallel_loop3A_207 = tpu.vector_load %arg8[%parallel_loop3A_205, %parallel_loop3A_206] {strides = array<i32>} : memref<200x128xf32, #tpu.memory_space<vmem>>, vector<16xf32>,
        %parallel_loop3A_208 = arith.constant 1.023000e+02 : f32
        %parallel_loop3A_209 = vector.broadcast %parallel_loop3A_208 : f32 to vector<16xf32>
        %parallel_loop3A_210 = arith.mulf %parallel_loop3A_207, %parallel_loop3A_209 : vector<16xf32>
        %parallel_loop3A_211 = arith.fptosi %parallel_loop3A_210 : vector<16xf32> to vector<16xi32>
        %parallel_loop3A_212 = arith.sitofp %parallel_loop3A_211 : vector<16xi32> to vector<16xf32>
        %parallel_loop3A_213 = arith.subf %parallel_loop3A_210, %parallel_loop3A_212 : vector<16xf32>
        %parallel_loop3A_214 = tpu.vector_load_idx %arg5[%parallel_loop3A_211] : memref<1040xf32, #tpu.memory_space<vmem>>[vector<16xi32>], vector<16xf32>,
        %parallel_loop3A_215 = tpu.vector_load_idx %arg6[%parallel_loop3A_211] : memref<1024xf32, #tpu.memory_space<vmem>>[vector<16xi32>], vector<16xf32>,
        %parallel_loop3A_216 = arith.mulf %parallel_loop3A_213, %parallel_loop3A_215 : vector<16xf32>
        %parallel_loop3A_217 = arith.addf %parallel_loop3A_214, %parallel_loop3A_216 : vector<16xf32>
        %parallel_loop3A_218 = arith.index_cast %parallel_loop3A_92 : i32 to index
        %parallel_loop3A_219 = arith.constant 112 : index
        %parallel_loop3A_220 = tpu.vector_load %arg10[%parallel_loop3A_218, %parallel_loop3A_219] {strides = array<i32>} : memref<200x128xf32, #tpu.memory_space<vmem>>, vector<16xf32>,
        tpu.vector_store %arg10[%parallel_loop3A_218, %parallel_loop3A_219], %parallel_loop3A_217 {strides = array<i32>} : memref<200x128xf32, #tpu.memory_space<vmem>>, vector<16xf32>,
      } {sc.loop_unroll_factor = 1 : i64, sc.parallel_access}
      %mul3A_80 = arith.constant 128 : i32
      %mul3A_81 = arith.muli %add3A_64, %mul3A_80 : i32
      %add3A_82 = arith.addi %mul3A_2, %mul3A_81 : i32
      %dma_start3A_83 = arith.constant 0 : i32
      %dma_start3A_84 = tpu.memref_slice %arg4[%dma_start3A_83, %add3A_82] : memref<200x16384xf32, #tpu.memory_space<hbm>> -> memref<200x128xf32, #tpu.memory_space<hbm>>
      %dma_start3A_85 = arith.constant 0 : i32
      %dma_start3A_86 = tpu.memref_slice %arg4[%dma_start3A_85, %add3A_82] : memref<200x16384xf32, #tpu.memory_space<hbm>> -> memref<200x128xf32, #tpu.memory_space<hbm>>
      tpu.enqueue_dma source(%arg10 : memref<200x128xf32, #tpu.memory_space<vmem>>) target(%dma_start3A_86 : memref<200x128xf32, #tpu.memory_space<hbm>>) target_semaphore(%arg14 : memref<!tpu.dma_semaphore, #tpu.memory_space<semaphore_mem>>)
      %lt3A_87 = arith.constant 1 : i32
      %lt3A_88 = arith.cmpi slt, %scan3A_33, %lt3A_87 : i32
      %convert_element_type3A_89 = arith.extui %lt3A_88 : i1 to i32
      %cond3A_90 = arith.constant 0 : i32
      %cond3A_91 = arith.cmpi ne, %convert_element_type3A_89, %cond3A_90 : i32
      scf.if %cond3A_91 {
        %add3A_92 = arith.constant 2 : i32
        %add3A_93 = arith.addi %add3A_64, %add3A_92 : i32
        %mul3A_94 = arith.constant 128 : i32
        %mul3A_95 = arith.muli %add3A_93, %mul3A_94 : i32
        %add3A_96 = arith.addi %mul3A_2, %mul3A_95 : i32
        %dma_start3A_97 = arith.constant 0 : i32
        %dma_start3A_98 = tpu.memref_slice %arg2[%dma_start3A_97, %add3A_96] : memref<200x16384xf32, #tpu.memory_space<hbm>> -> memref<200x128xf32, #tpu.memory_space<hbm>>
        %dma_start3A_99 = arith.constant 0 : i32
        %dma_start3A_100 = tpu.memref_slice %arg2[%dma_start3A_99, %add3A_96] : memref<200x16384xf32, #tpu.memory_space<hbm>> -> memref<200x128xf32, #tpu.memory_space<hbm>>
        tpu.enqueue_dma source(%dma_start3A_100 : memref<200x128xf32, #tpu.memory_space<hbm>>) target(%arg8 : memref<200x128xf32, #tpu.memory_space<vmem>>) target_semaphore(%arg12 : memref<!tpu.dma_semaphore, #tpu.memory_space<semaphore_mem>>)
      } else {
      }
    }
    %scan3A_21 = arith.constant 2 : i32
    %add3A_22 = arith.constant 256 : i32
    %add3A_23 = arith.addi %mul3A_2, %add3A_22 : i32
    %dma_wait3A = arith.constant 0 : i32
    %dma_wait3A_24 = tpu.memref_slice %arg4[%dma_wait3A, %add3A_23] : memref<200x16384xf32, #tpu.memory_space<hbm>> -> memref<200x128xf32, #tpu.memory_space<hbm>>
    %dma_wait3A_25 = arith.constant 0 : i32
    %dma_wait3A_26 = tpu.memref_slice %arg4[%dma_wait3A_25, %add3A_23] : memref<200x16384xf32, #tpu.memory_space<hbm>> -> memref<200x128xf32, #tpu.memory_space<hbm>>
    tpu.wait_dma2 semaphore(%arg13 : memref<!tpu.dma_semaphore, #tpu.memory_space<semaphore_mem>>) src(%arg9 : memref<200x128xf32, #tpu.memory_space<vmem>>) dst(%dma_wait3A_26 : memref<200x128xf32, #tpu.memory_space<hbm>>)
    %add3A_27 = arith.constant 384 : i32
    %add3A_28 = arith.addi %mul3A_2, %add3A_27 : i32
    %dma_wait3A_29 = arith.constant 0 : i32
    %dma_wait3A_30 = tpu.memref_slice %arg4[%dma_wait3A_29, %add3A_28] : memref<200x16384xf32, #tpu.memory_space<hbm>> -> memref<200x128xf32, #tpu.memory_space<hbm>>
    %dma_wait3A_31 = arith.constant 0 : i32
    %dma_wait3A_32 = tpu.memref_slice %arg4[%dma_wait3A_31, %add3A_28] : memref<200x16384xf32, #tpu.memory_space<hbm>> -> memref<200x128xf32, #tpu.memory_space<hbm>>
    tpu.wait_dma2 semaphore(%arg14 : memref<!tpu.dma_semaphore, #tpu.memory_space<semaphore_mem>>) src(%arg10 : memref<200x128xf32, #tpu.memory_space<vmem>>) dst(%dma_wait3A_32 : memref<200x128xf32, #tpu.memory_space<hbm>>)
    return
  }
}

</mosaic_0001>

<sc_bundles>
// kernel: kernel.3.cloned.1.call-start
scs
__scs_entry_jumppad:
0x0: {  	(pc) =	sbr.rel $0x88, $3  }
0x1: {  	(tag) =	ssettag $0x0;
	lr =	simm.s32 $0x1  }
0x2: {  	[smem:$0x3F9F] =	sst lr;
	_ =	strace $0xD0000000  }
0x3: {  	_ = 	snop  }
0x4: {  	_ = 	snop  }
0x5: {  	_ = 	snop  }
0x6: {  	_ = 	snop  }
0x7: {  	_ = 	snop  }
__scs_overlays_trampoline_lowered:
0x8: {  	[smem:$0x3FAE] =	sst s0  }
0x9: {  	[smem:$0x3FAF] =	sst s1  }
0xa: {  	[smem:$0x3FB0] =	sst s2  }
0xb: {  	[smem:$0x3FB1] =	sst s3  }
0xc: {  	[smem:$0x3FB2] =	sst s4  }
0xd: {  	[smem:$0x3FB3] =	sst s5  }
0xe: {  	[smem:$0x3FB4] =	sst s6  }
0xf: {  	[smem:$0x3FB5] =	sst s7  }
0x10: {  	[smem:$0x3FB6] =	sst s8  }
0x11: {  	[smem:$0x3FB7] =	sst s9;
	s0 =	simm.s32 @!p0 $0x0  }
0x12: {  	s1 =	sld [smem:$0x3F9D];
	s0 =	simm.s32 @p0 $0x1  }
0x13: {  	[smem:$0x3FB8] =	sst s0;
	s0 =	simm.s32 @!p1 $0x0  }
0x14: {  	s2 =	sld [smem:$0x3F9C];
	s0 =	simm.s32 @p1 $0x1  }
0x15: {  	[smem:$0x3FB9] =	sst s0;
	s0 =	simm.s32 @!p2 $0x0  }
0x16: {  	s3 =	sld [smem:$0x3FDB];
	s0 =	simm.s32 @p2 $0x1  }
0x17: {  	s4 =	simm.s32 $0x1BF5;
	[smem:$0x3FBB] =	sst s0  }
0x18: {  	s0 =	sld [smem:$0x3F9E];
	_ =	swait.ge [sflag:s4], $0x0  }
0x19: {  	s7 =	sld [smem:$0x3F9F]  }
0x1a: {  	s8 =	sadd.s32 $0xFFFFE003, lr  }
0x1b: {  	s9 =	sadd.s32 $0xFFFFFEF7, lr;
	s5 =	simm.s32 $0xFFFFFFFF;
	p2 =	slt.u32 s8, $0xFFFFF086  }
0x1c: {  	p1 =	slt.u32 s9, $0xF7A;
	s5 =	simm.s32 @!p2 $0x0  }
0x1d: {  	s5 =	simm.s32 @p1 $0x1;
	p0 =	seq.s32 s7, s2  }
0x1e: {  	s7 =	smul.u32 @!p0 $0xF7A, s2;
	p2 =	seq.s32 @!p0 s5, $0x0  }
0x1f: {  	s9 =	smul.u32 $0xF7A, s1;
	s8 =	simm.s32 @!p0 $0x1BF5;
	p2 =	por !p2, p0  }
0x20: {  	[sflag:s8] =	ssyncset.s32 @!p0 $0xFFFFF086;
	s6 =	sadd.s32 @!p0 s3, s7;
	s7 =	simm.s32 @!p0 $0x108  }
0x21: {  	s3 =	sadd.s32 s3, s9;
	s6 =	sadd.s32 @!p0 $0x88, s6;
	s7 =	simm.s32 @p2 $0x1082  }
0x22: {  	[simem:s7], [sflag:s8] =	dma.local @!p0 [hbm:s6], $0xF7A  }
0x23: {  	s9 =	sor.u32 $0xD0000000, s2;
	s6 =	simm.s32 $0x108;
	_ =	swait.ge @!p0 [sflag:s8], $0x0  }
0x24: {  	s3 =	sadd.s32 $0x88, s3;
	s6 =	simm.s32 @!p1 $0x1082;
	[sflag:s4] =	ssyncset.s32 $0xFFFFF086  }
0x25: {  	[simem:s6], [sflag:s4] =	dma.local [hbm:s3], $0xF7A  }
0x26: {  	[smem:$0x3F9F] =	sst s1;
	(tag) =	ssettag s2;
	_ =	strace s9  }
0x27: {  	s1 =	sld [smem:$0x3FAF]  }
0x28: {  	s2 =	sld [smem:$0x3FB0]  }
0x29: {  	s4 =	sld [smem:$0x3FB2]  }
0x2a: {  	p0 =	seq.s32 s5, $0x0;
	s5 =	sld [smem:$0x3FB3]  }
0x2b: {  	s6 =	sld [smem:$0x3FB4]  }
0x2c: {  	s7 =	sld [smem:$0x3FB5]  }
0x2d: {  	s3 =	simm.s32 $0x108;
	s8 =	sld [smem:$0x3FB6]  }
0x2e: {  	s3 =	simm.s32 @!p0 $0x1082;
	s9 =	sld [smem:$0x3FB7]  }
0x2f: {  	lr =	sadd.s32 s0, s3;
	s0 =	sld [smem:$0x3FAE]  }
0x30: {  	s3 =	sld [smem:$0x3FB1]  }
0x31: {  	[smem:$0x3FBA] =	sst s10  }
0x32: {  	s10 =	sld [smem:$0x3FB8];
	_ =	sdelay $0x3  }
0x33: {  	p0 =	seq.s32 s10, $0x1;
	s10 =	sld [smem:$0x3FBA];
	_ =	sdelay $0x3  }
0x34: {  	[smem:$0x3FBA] =	sst s10  }
0x35: {  	s10 =	sld [smem:$0x3FB9];
	_ =	sdelay $0x3  }
0x36: {  	p1 =	seq.s32 s10, $0x1;
	s10 =	sld [smem:$0x3FBA];
	_ =	sdelay $0x3  }
0x37: {  	[smem:$0x3FBA] =	sst s10  }
0x38: {  	s10 =	sld [smem:$0x3FBB]  }
0x39: {  	_ = 	snop;
	(pc) =	sbr.ind lr, $3  }
0x3a: {  	_ = 	snop  }
0x3b: {  	_ = 	snop  }
0x3c: {  	p2 =	seq.s32 s10, $0x1;
	s10 =	sld [smem:$0x3FBA]  }
0x3d: {  	_ =	shalt  }
0x3e: {  	_ =	shalt  }
0x3f: {  	_ =	shalt  }
0x40: {  	_ =	shalt  }
0x41: {  	_ =	shalt  }
0x42: {  	_ =	shalt  }
0x43: {  	_ =	shalt  }
0x44: {  	_ =	shalt  }
0x45: {  	_ =	shalt  }
0x46: {  	_ =	shalt  }
0x47: {  	_ =	shalt  }
0x48: {  	_ =	shalt  }
0x49: {  	_ =	shalt  }
0x4a: {  	_ =	shalt  }
0x4b: {  	_ =	shalt  }
0x4c: {  	_ =	shalt  }
0x4d: {  	_ =	shalt  }
0x4e: {  	_ =	shalt  }
0x4f: {  	_ =	shalt  }
0x50: {  	_ =	shalt  }
0x51: {  	_ =	shalt  }
0x52: {  	_ =	shalt  }
0x53: {  	_ =	shalt  }
0x54: {  	_ =	shalt  }
0x55: {  	_ =	shalt  }
0x56: {  	_ =	shalt  }
0x57: {  	_ =	shalt  }
0x58: {  	_ =	shalt  }
0x59: {  	_ =	shalt  }
0x5a: {  	_ =	shalt  }
0x5b: {  	_ =	shalt  }
0x5c: {  	_ =	shalt  }
0x5d: {  	_ =	shalt  }
0x5e: {  	_ =	shalt  }
0x5f: {  	_ =	shalt  }
0x60: {  	_ =	shalt  }
0x61: {  	_ =	shalt  }
0x62: {  	_ =	shalt  }
0x63: {  	_ =	shalt  }
0x64: {  	_ =	shalt  }
0x65: {  	_ =	shalt  }
0x66: {  	_ =	shalt  }
0x67: {  	_ =	shalt  }
0x68: {  	_ =	shalt  }
0x69: {  	_ =	shalt  }
0x6a: {  	_ =	shalt  }
0x6b: {  	_ =	shalt  }
0x6c: {  	_ =	shalt  }
0x6d: {  	_ =	shalt  }
0x6e: {  	_ =	shalt  }
0x6f: {  	_ =	shalt  }
0x70: {  	_ =	shalt  }
0x71: {  	_ =	shalt  }
0x72: {  	_ =	shalt  }
0x73: {  	_ =	shalt  }
0x74: {  	_ =	shalt  }
0x75: {  	_ =	shalt  }
0x76: {  	_ =	shalt  }
0x77: {  	_ =	shalt  }
0x78: {  	_ =	shalt  }
0x79: {  	_ =	shalt  }
0x7a: {  	_ =	shalt  }
0x7b: {  	_ =	shalt  }
0x7c: {  	_ =	shalt  }
0x7d: {  	_ =	shalt  }
0x7e: {  	_ =	shalt  }
0x7f: {  	_ =	shalt  }
0x80: {  	_ =	shalt  }
0x81: {  	_ =	shalt  }
0x82: {  	_ =	shalt  }
0x83: {  	_ =	shalt  }
0x84: {  	_ =	shalt  }
0x85: {  	_ =	shalt  }
0x86: {  	_ =	shalt  }
0x87: {  	_ =	shalt  }
.Lfunc_end0:
.L_simem_size_0:
called_computation_lowered:
.L_overlay_start_0:
0x88: {  	s2 =	sld [smem:$0x3FD9]  }
0x89: {  	s3 =	sld [smem:$0x3FFE];
	_ =	sdelay $0x1  }
0x8a: {  	s1 =	srdreg.scid  }
0x8b: {  	s0 =	sand.u32 $0x1, s1  }
0x8c: {  	s18 =	sshll.u32 s0, $0xA;
	s2 =	sadd.s32 s3, s2  }
0x8d: {  	s2 =	sadd.s32 s2, s18  }
0x8e: {  	[smem:$0x3FC6] =	sst s2  }
0x8f: {  	_ = 	snop  }
0x90: {  	s2 =	sld [smem:$0x3FC9]  }
0x91: {  	s19 =	sld [smem:$0x3FC8]  }
0x92: {  	s4 =	sld [smem:$0x3FD0];
	(tm) =	ssettm $0x1  }
0x93: {  	s5 =	sld [smem:$0x3FFB];
	_ =	sdelay $0x3  }
0x94: {  	_ =	strace s5  }
0x95: {  	s5 =	sld [smem:$0x3FFC];
	_ =	sdelay $0x3  }
0x96: {  	_ =	strace s5  }
0x97: {  	s5 =	sld [smem:$0x3FFD];
	_ =	sdelay $0x3  }
0x98: {  	_ =	strace s5  }
0x99: {  	_ =	strace $0x8FFFFFFF  }
0x9a: {  	s20 =	sld [smem:$0x3FDB];
	_ =	sdelay $0x1  }
0x9b: {  	s6 =	simm.s32 $_scs_section_size  }
0x9c: {  	s7 =	simm.s32 $_size__tile_overlayer_lowered;
	s8 =	simm.s32 $_tile_overlayer_lowered  }
0x9d: {  	s23 =	simm.s32 $0x1BFF;
	s22 =	sshll.u32 s8, $0x1;
	s5 =	sadd.s32 s6, s20  }
0x9e: {  	s9 =	simm.s32 $0x0;
	s21 =	sshll.u32 s7, $0x1;
	s7 =	sadd.s32 s22, s5  }
0x9f: {  	[timem:s9], [sflag:s23] =	dma.local [hbm:s7], s21  }
0xa0: {  	_ =	swait.ge [sflag:s23], s21  }
0xa1: {  	s6 =	ssub.s32 $0x0, s21;
	[sflag:s23] =	ssyncset.done $0x0  }
0xa2: {  	[sflag:s23] =	ssyncadd.s32 s6;
	_ =	sdelay $0x1  }
0xa3: {  	s24 =	simm.s32 $0x1B8B  }
0xa4: {  	_ =	swait.ge [sflag:s24], $0x1  }
0xa5: {  	[sflag:s24] =	ssyncset.done $0x0  }
0xa6: {  	s25 =	simm.s32 $0x1B8E;
	[sflag:s24] =	ssyncadd.s32 $0xFFFFFFFF  }
0xa7: {  	s26 =	simm.s32 $execute0_lowered;
	[smem:$0x3FD2] =	sst s25  }
0xa8: {  	s6 =	sshll.u32 s26, $0x1;
	_ =	strace $0x80000046;
	[dreg:$0x1] =	wrdreg $0xFFFFFFFF  }
0xa9: {  	s28 =	simm.s32 $_size_execute0_lowered;
	s5 =	sadd.s32 s5, s6;
	[dreg:$0x0] =	wrdreg $0x0  }
0xaa: {  	s6 =	sshll.u32 s28, $0x1;
	[dreg:$0x2] =	wrdreg s5  }
0xab: {  	[dreg:$0x3] =	wrdreg s6  }
0xac: {  	[dreg:$0x4] =	wrdreg $0xC0  }
0xad: {  	_ =	task [dreg:s9], $0x5FFFF  }
0xae: {  	[dreg:$0x1] =	wrdreg $0xFFFFFFFF  }
0xaf: {  	[dreg:$0x0] =	wrdreg $0x60  }
0xb0: {  	[dreg:$0x2] =	wrdreg s2  }
0xb1: {  	[dreg:$0x3] =	wrdreg s19  }
0xb2: {  	[dreg:$0x4] =	wrdreg s4  }
0xb3: {  	[dreg:$0x5] =	wrdreg $0x9  }
0xb4: {  	_ =	task.clear_ibuf [dreg:s9], $0x6FFFF;
	_ =	strace $0x90000046  }
0xb5: {  	s29 =	simm.s32 $0x9;
	_ =	strace $0x80000048  }
0xb6: {  	_ =	swait.ge [sflag:s29], $0x1  }
0xb7: {  	[sflag:s29] =	ssyncadd.s32 $0xFFFFFFFF  }
0xb8: {  	_ =	strace $0x90000048  }
0xb9: {  	_ =	sfence  }
0xba: {  	s30 =	sld [smem:$0x0];
	_ =	sdelay $0x2  }
0xbb: {  	s31 =	sshll.u32 s1, $0xD;
	s1 =	sshrl.u32 s1, $0x2  }
0xbc: {  	s3 =	sand.u32 $0x4000, s31;
	s1 =	sadd.s32 s1, s30  }
0xbd: {  	s0 =	sor.u32 s3, s0;
	s1 =	sshll.u32 s1, $0x11  }
0xbe: {  	s0 =	sor.u32 s1, s0  }
0xbf: {  	s0 =	sadd.s32 $0x8F2B, s0  }
0xc0: {  	[sflag:s0] =	ssyncadd.remote.s32 $0x1  }
0xc1: {  	_ =	sfence.sel $0xFFFF  }
0xc2: {  	[dreg:$0x0] =	wrdreg $0xFFFFFFFF;
	(pc) =	sbr.abs _section_cstart, $3  }
0xc3: {  	[dreg:$0x1] =	wrdreg $0xFFFFFFFF  }
0xc4: {  	_ =	task.clear_ibuf [dreg:s9], $0x2FFFF;
	_ =	strace $0x9FFFFFFF  }
0xc5: {  	(tm) =	ssettm $0x7FFFFFFF  }
tec
execute0_lowered:
.L_overlay_start_1:
0x0: {  	(tag) =	ssettag $0x1  }
0x1: {  	s4 =	rddreg [dreg:$0x0]  }
0x2: {  	s1 =	rddreg [dreg:$0x1]  }
0x3: {  	s6 =	rddreg [dreg:$0x2]  }
0x4: {  	s0 =	rddreg [dreg:$0x3];
	s5 =	srdreg.scid;
	s3 =	simm.s32 $0x0  }
0x5: {  	s2 =	stileid.u32;
	s10 =	simm.s32 $0x400;
	s11 =	simm.s32 $0x20000  }
0x6: {  	s12 =	simm.s32 $0x880;
	s13 =	simm.s32 $0x6C80;
	s14 =	simm.s32 $0x5  }
0x7: {  	s15 =	simm.s32 $0x1;
	s16 =	simm.s32 $0x480;
	s17 =	simm.s32 $0xD080  }
0x8: {  	s18 =	simm.s32 $0x2;
	s19 =	simm.s32 $0x13480;
	s20 =	simm.s32 $0x3  }
0x9: {  	s21 =	simm.s32 $0x4;
	s5 =	sand.u32 $0x1, s5;
	s8 =	sshll.u32 s2, $0xA  }
.Ltmp0:
0xa: {  	s7 =	ssub.s32 $0x2, s5;
	s5 =	sshll.u32 s5, $0x9;
	(pc) =	sbr.rel .LBB2_1-.Ltmp0, $4  }
0xb: {  	s22 =	simm.s32 $0x0;
	[smem:$0x7FF] =	sst s3;
	s8 =	sor.u32 s5, s8  }
0xc: {  	_ =	strace $0x80000047;
	s9 =	sshrl.u32 s7, $0x1;
	s4 =	sadd.s32 s4, s8  }
0xd: {  	s9 =	ssub.s32 s7, s9;
	s6 =	sadd.s32 s6, s8;
	s5 =	sadd.s32 $0x80, s4  }
0xe: {  	v0 =	vimm.s32 $0x3FF;
	s7 =	sadd.s32 $0x100, s4;
	s8 =	sadd.s32 $0x180, s4;
	s9 =	smax.u32 s9, $0x1  }
.LBB2_10:
0xf: {  	s22 =	sadd.s32 $0x1, s22  }
0x10: {  	_ =	swait.ge [sflag:s20], $0x6400;
	p0 =	sne.s32 s22, s9  }
.Ltmp1:
0x11: {  	[sflag:s20] =	ssyncset.done $0x0;
	(pc) =	sbr.rel @!p0 .LBB2_11-.Ltmp1, $4  }
0x12: {  	[sflag:s20] =	ssyncadd.s32 $0xFFFF9C00  }
0x13: {  	_ =	swait.ge [sflag:s21], $0x6400  }
0x14: {  	[sflag:s21] =	ssyncset.done $0x0  }
0x15: {  	[sflag:s21] =	ssyncadd.s32 $0xFFFF9C00  }
.LBB2_1:
0x16: {  	[tilespmem:s12], [sflag:$0x1] =	stream.strided.gather [hbm4b:s4+s10], $0x6400, s11, s10, $0x38;
	[tilespmem:$0x19880] =	vst v63  }
0x17: {  	_ = 	snop  }
0x18: {  	[tilespmem:s13], [sflag:$0x2] =	stream.strided.gather [hbm4b:s5+s10], $0x6400, s11, s10, $0x38;
	[tilespmem:$0x19880] =	vst v63  }
0x19: {  	_ = 	snop  }
0x1a: {  	[tilespmem:s3], [sflag:$0x5] =	stream.linear.gather [hbm4b:s1+s3], $0x400, $0x38;
	[tilespmem:$0x19880] =	vst v63  }
0x1b: {  	_ =	swait.ge [sflag:s14], $0x400  }
0x1c: {  	[sflag:s14] =	ssyncset.done $0x0  }
0x1d: {  	[sflag:s14] =	ssyncadd.s32 $0xFFFFFC00  }
0x1e: {  	v1 =	vld.idx.msk [tilespmem:v0+s3+$0x0], $0xffff;
	_ =	sdelay $0x4  }
0x1f: {  	[tilespmem:$0x400] =	vst v1  }
0x20: {  	v2 =	vld [tilespmem:s15+$0xFFFFFFFF]  }
0x21: {  	v3 =	vld [tilespmem:s15+$0x0];
	_ =	sdelay $0x2  }
0x22: {  	s23 =	simm.s32 $0x11  }
0x23: {  	v1 =	vld [tilespmem:s23+$0xFFFFFFFF]  }
0x24: {  	s25 =	simm.s32 $0x10;
	s24 =	simm.s32 $0x480;
	v3 =	vsub.f32 v3, v2;
	v2 =	vld [tilespmem:s23+$0x0]  }
.LBB2_2:
0x25: {  	s25 =	sadd.s32 $0x10, s25  }
0x26: {  	[tilespmem:s24+$0x0] =	vst v3;
	s24 =	sadd.s32 $0x10, s24;
	p0 =	slt.u32 s25, $0x3F0  }
.Ltmp2:
0x27: {  	(pc) =	sbr.rel @p0 .LBB2_2-.Ltmp2, $4  }
0x28: {  	_ = 	snop  }
0x29: {  	s23 =	sadd.s32 $0x10, s23  }
0x2a: {  	v3 =	vsub.f32 v2, v1;
	v1 =	vld [tilespmem:s23+$0xFFFFFFFF]  }
0x2b: {  	v2 =	vld [tilespmem:s23+$0x0]  }
0x2c: {  	_ =	sdelay $0x3  }
0x2d: {  	v1 =	vsub.f32 v2, v1  }
0x2e: {  	[tilespmem:s24+$0x0] =	vst v3;
	s23 =	sadd.s32 $0x10, s24  }
0x2f: {  	p0 =	por $0x0, $0x0;
	[tilespmem:s23+$0x0] =	vst v1;
	s23 =	simm.s32 $0x0  }
.LBB2_4:
0x30: {  	_ =	swait.ge [sflag:s15], $0x6400  }
0x31: {  	[sflag:s15] =	ssyncset.done $0x0  }
0x32: {  	s24 =	simm.s32 @p0 $0x3;
	[sflag:s15] =	ssyncadd.s32 $0xFFFF9C00  }
0x33: {  	_ =	swait.ge @p0 [sflag:s24], $0x6400  }
0x34: {  	[sflag:s24] =	ssyncset.done @p0 $0x0  }
0x35: {  	[sflag:s24] =	ssyncadd.s32 @p0 $0xFFFF9C00;
	s24 =	simm.s32 $0x0  }
0x36: {  	v1 =	vld [tilespmem:s24+$0x880];
	_ =	sdelay $0x4  }
0x37: {  	v1 =	vmul.f32 $1.023000030e+02, v1;
	_ =	sdelay $0x1  }
0x38: {  	v2 =	vtrunc.f32 v1  }
0x39: {  	v2 =	vcvt.f32.s32 v2;
	_ =	sdelay $0x1  }
0x3a: {  	v3 =	vld [tilespmem:s24+$0x890];
	_ =	sdelay $0x3  }
0x3b: {  	v4 =	vld.idx.msk [tilespmem:v2+s16+$0x0], $0xffff  }
0x3c: {  	v3 =	vmul.f32 $1.023000030e+02, v3;
	v5 =	vcvt.s32.f32 v2  }
0x3d: {  	v2 =	vld.idx.msk [tilespmem:v2+s3+$0x0], $0xffff  }
0x3e: {  	s25 =	simm.s32 $0x80;
	v1 =	vsub.f32 v1, v5;
	v5 =	vtrunc.f32 v3  }
0x3f: {  	v6 =	vld [tilespmem:s25+$0x880];
	v5 =	vcvt.f32.s32 v5  }
0x40: {  	v1 =	vmul.f32 v1, v4  }
0x41: {  	v4 =	vld [tilespmem:s24+$0x8A0]  }
0x42: {  	v1 =	vadd.f32 v1, v2;
	_ =	sdelay $0x1  }
0x43: {  	[tilespmem:s24+$0xD080] =	vst v1;
	v1 =	vmul.f32 $1.023000030e+02, v6  }
0x44: {  	v7 =	vcvt.s32.f32 v5;
	v2 =	vld.idx.msk [tilespmem:v5+s16+$0x0], $0xffff  }
0x45: {  	v4 =	vmul.f32 $1.023000030e+02, v4;
	v6 =	vtrunc.f32 v1  }
0x46: {  	v5 =	vld.idx.msk [tilespmem:v5+s3+$0x0], $0xffff;
	v6 =	vcvt.f32.s32 v6  }
0x47: {  	v3 =	vsub.f32 v3, v7;
	v7 =	vtrunc.f32 v4  }
0x48: {  	v7 =	vcvt.f32.s32 v7  }
0x49: {  	v2 =	vmul.f32 v3, v2;
	v3 =	vld [tilespmem:s25+$0x890]  }
0x4a: {  	v8 =	vld [tilespmem:s24+$0x8B0]  }
0x4b: {  	v2 =	vadd.f32 v2, v5  }
0x4c: {  	v5 =	vld.idx.msk [tilespmem:v6+s3+$0x0], $0xffff  }
0x4d: {  	v9 =	vld.idx.msk [tilespmem:v6+s16+$0x0], $0xffff;
	[tilespmem:s24+$0xD090] =	vst v2  }
0x4e: {  	v6 =	vcvt.s32.f32 v6;
	v2 =	vld.idx.msk [tilespmem:v7+s16+$0x0], $0xffff;
	v3 =	vmul.f32 $1.023000030e+02, v3  }
0x4f: {  	v8 =	vmul.f32 $1.023000030e+02, v8;
	v11 =	vcvt.s32.f32 v7  }
0x50: {  	v1 =	vsub.f32 v1, v6;
	v7 =	vld.idx.msk [tilespmem:v7+s3+$0x0], $0xffff;
	v6 =	vtrunc.f32 v3  }
0x51: {  	s26 =	simm.s32 $0x100;
	v10 =	vld [tilespmem:s24+$0x8C0];
	v4 =	vsub.f32 v4, v11;
	v11 =	vtrunc.f32 v8;
	v6 =	vcvt.f32.s32 v6  }
0x52: {  	v12 =	vld [tilespmem:s26+$0x880];
	v11 =	vcvt.f32.s32 v11;
	v1 =	vmul.f32 v1, v9  }
0x53: {  	v9 =	vld [tilespmem:s25+$0x8A0];
	v2 =	vmul.f32 v4, v2  }
0x54: {  	v1 =	vadd.f32 v1, v5  }
0x55: {  	v2 =	vadd.f32 v2, v7  }
0x56: {  	[tilespmem:s25+$0xD080] =	vst v1  }
0x57: {  	v1 =	vmul.f32 $1.023000030e+02, v12;
	v7 =	vmul.f32 $1.023000030e+02, v10;
	v4 =	vld.idx.msk [tilespmem:v6+s16+$0x0], $0xffff;
	[tilespmem:s24+$0xD0A0] =	vst v2  }
0x58: {  	v5 =	vmul.f32 $1.023000030e+02, v9;
	v9 =	vcvt.s32.f32 v6;
	v10 =	vld.idx.msk [tilespmem:v11+s16+$0x0], $0xffff  }
0x59: {  	v14 =	vld [tilespmem:s25+$0x8B0];
	v12 =	vcvt.s32.f32 v11;
	v2 =	vtrunc.f32 v1  }
0x5a: {  	v2 =	vcvt.f32.s32 v2;
	v3 =	vsub.f32 v3, v9;
	v11 =	vld.idx.msk [tilespmem:v11+s3+$0x0], $0xffff  }
0x5b: {  	v6 =	vld.idx.msk [tilespmem:v6+s3+$0x0], $0xffff;
	v13 =	vtrunc.f32 v7;
	v8 =	vsub.f32 v8, v12;
	v9 =	vtrunc.f32 v5  }
0x5c: {  	v13 =	vcvt.f32.s32 v13;
	v3 =	vmul.f32 v3, v4;
	v4 =	vld [tilespmem:s26+$0x890]  }
0x5d: {  	s28 =	simm.s32 $0x180;
	v12 =	vld [tilespmem:s24+$0x8D0];
	v9 =	vcvt.f32.s32 v9;
	v8 =	vmul.f32 v8, v10  }
0x5e: {  	v17 =	vld [tilespmem:s28+$0x880]  }
0x5f: {  	v18 =	vld [tilespmem:s25+$0x8C0];
	v8 =	vadd.f32 v8, v11  }
0x60: {  	v3 =	vadd.f32 v3, v6;
	v11 =	vld.idx.msk [tilespmem:v2+s16+$0x0], $0xffff  }
0x61: {  	v6 =	vld.idx.msk [tilespmem:v2+s3+$0x0], $0xffff;
	v2 =	vcvt.s32.f32 v2;
	v4 =	vmul.f32 $1.023000030e+02, v4;
	[tilespmem:s24+$0xD0B0] =	vst v8  }
0x62: {  	[tilespmem:s25+$0xD090] =	vst v3;
	v8 =	vmul.f32 $1.023000030e+02, v12;
	v12 =	vmul.f32 $1.023000030e+02, v14;
	v14 =	vld.idx.msk [tilespmem:v13+s16+$0x0], $0xffff  }
0x63: {  	v15 =	vcvt.s32.f32 v13;
	v3 =	vld.idx.msk [tilespmem:v9+s16+$0x0], $0xffff;
	v1 =	vsub.f32 v1, v2  }
0x64: {  	v16 =	vcvt.s32.f32 v9;
	v13 =	vld.idx.msk [tilespmem:v13+s3+$0x0], $0xffff;
	v2 =	vtrunc.f32 v4  }
0x65: {  	v7 =	vsub.f32 v7, v15;
	v10 =	vld [tilespmem:s24+$0x8E0];
	v2 =	vcvt.f32.s32 v2;
	v1 =	vmul.f32 v1, v11  }
0x66: {  	v5 =	vsub.f32 v5, v16;
	v9 =	vld.idx.msk [tilespmem:v9+s3+$0x0], $0xffff;
	v11 =	vtrunc.f32 v8  }
0x67: {  	v15 =	vld [tilespmem:s26+$0x8A0];
	v11 =	vcvt.f32.s32 v11;
	v1 =	vadd.f32 v1, v6;
	v6 =	vmul.f32 v7, v14  }
0x68: {  	v16 =	vtrunc.f32 v12  }
0x69: {  	v21 =	vld [tilespmem:s25+$0x8E0];
	v3 =	vmul.f32 v5, v3;
	v7 =	vcvt.f32.s32 v16;
	v5 =	vadd.f32 v6, v13  }
0x6a: {  	[tilespmem:s26+$0xD080] =	vst v1;
	v1 =	vld [tilespmem:s24+$0x8F0]  }
0x6b: {  	v10 =	vmul.f32 $1.023000030e+02, v10;
	v3 =	vadd.f32 v3, v9;
	v6 =	vld.idx.msk [tilespmem:v2+s3+$0x0], $0xffff;
	[tilespmem:s24+$0xD0C0] =	vst v5;
	v5 =	vmul.f32 $1.023000030e+02, v17  }
0x6c: {  	v14 =	vmul.f32 $1.023000030e+02, v15;
	v15 =	vmul.f32 $1.023000030e+02, v18;
	v9 =	vld.idx.msk [tilespmem:v2+s16+$0x0], $0xffff  }
0x6d: {  	[tilespmem:s25+$0xD0A0] =	vst v3;
	v2 =	vcvt.s32.f32 v2;
	v13 =	vld.idx.msk [tilespmem:v11+s16+$0x0], $0xffff;
	v3 =	vtrunc.f32 v5  }
0x6e: {  	v18 =	vcvt.s32.f32 v11;
	v11 =	vld.idx.msk [tilespmem:v11+s3+$0x0], $0xffff;
	v3 =	vcvt.f32.s32 v3  }
0x6f: {  	v16 =	vtrunc.f32 v10;
	v2 =	vsub.f32 v4, v2;
	v4 =	vtrunc.f32 v14;
	v17 =	vld.idx.msk [tilespmem:v7+s16+$0x0], $0xffff  }
0x70: {  	v19 =	vcvt.s32.f32 v7;
	v8 =	vsub.f32 v8, v18;
	v18 =	vld [tilespmem:s28+$0x890];
	v4 =	vcvt.f32.s32 v4  }
0x71: {  	v16 =	vcvt.f32.s32 v16;
	v7 =	vld.idx.msk [tilespmem:v7+s3+$0x0], $0xffff;
	v2 =	vmul.f32 v2, v9  }
0x72: {  	v20 =	vtrunc.f32 v15;
	v9 =	vsub.f32 v12, v19;
	v12 =	vld [tilespmem:s25+$0x8D0];
	v8 =	vmul.f32 v8, v13  }
0x73: {  	v19 =	vcvt.f32.s32 v20;
	v2 =	vadd.f32 v2, v6;
	v6 =	vld [tilespmem:s26+$0x8B0]  }
0x74: {  	v23 =	vmul.f32 $1.023000030e+02, v1;
	v9 =	vmul.f32 v9, v17;
	v8 =	vadd.f32 v8, v11;
	v17 =	vld.idx.msk [tilespmem:v3+s3+$0x0], $0xffff  }
0x75: {  	v1 =	vcvt.s32.f32 v3;
	v13 =	vmul.f32 $1.023000030e+02, v18;
	[tilespmem:s26+$0xD090] =	vst v2;
	v11 =	vld.idx.msk [tilespmem:v3+s16+$0x0], $0xffff  }
0x76: {  	v7 =	vadd.f32 v9, v7;
	v9 =	vld.idx.msk [tilespmem:v4+s16+$0x0], $0xffff;
	[tilespmem:s24+$0xD0D0] =	vst v8  }
0x77: {  	v1 =	vsub.f32 v5, v1;
	v5 =	vtrunc.f32 v13;
	v3 =	vld.idx.msk [tilespmem:v16+s16+$0x0], $0xffff  }
0x78: {  	v2 =	vmul.f32 $1.023000030e+02, v12;
	v12 =	vcvt.s32.f32 v16;
	[tilespmem:s25+$0xD0B0] =	vst v7;
	v18 =	vld.idx.msk [tilespmem:v16+s3+$0x0], $0xffff  }
0x79: {  	v22 =	vcvt.f32.s32 v5;
	v8 =	vmul.f32 $1.023000030e+02, v6;
	v6 =	vld.idx.msk [tilespmem:v19+s16+$0x0], $0xffff  }
0x7a: {  	v5 =	vcvt.s32.f32 v19;
	v10 =	vsub.f32 v10, v12;
	v12 =	vcvt.s32.f32 v4;
	v4 =	vld.idx.msk [tilespmem:v4+s3+$0x0], $0xffff  }
0x7b: {  	v7 =	vtrunc.f32 v23;
	v19 =	vld.idx.msk [tilespmem:v19+s3+$0x0], $0xffff;
	v1 =	vmul.f32 v1, v11  }
0x7c: {  	v16 =	vtrunc.f32 v2;
	v5 =	vsub.f32 v15, v5;
	v24 =	vcvt.f32.s32 v7;
	v7 =	vld [tilespmem:s28+$0x8A0]  }
0x7d: {  	s29 =	simm.s32 $0x200;
	v25 =	vcvt.f32.s32 v16;
	v11 =	vld [tilespmem:s26+$0x8C0];
	v1 =	vadd.f32 v1, v17;
	v3 =	vmul.f32 v10, v3  }
0x7e: {  	v17 =	vld [tilespmem:s29+$0x880];
	v10 =	vsub.f32 v14, v12;
	v12 =	vtrunc.f32 v8;
	v6 =	vmul.f32 v5, v6  }
0x7f: {  	v16 =	vcvt.f32.s32 v12;
	v5 =	vld [tilespmem:s25+$0x8F0];
	[tilespmem:s28+$0xD080] =	vst v1;
	v3 =	vadd.f32 v3, v18  }
0x80: {  	v9 =	vmul.f32 v10, v9;
	v15 =	vld.idx.msk [tilespmem:v22+s3+$0x0], $0xffff;
	v6 =	vadd.f32 v6, v19  }
0x81: {  	v14 =	vcvt.s32.f32 v25;
	v18 =	vld.idx.msk [tilespmem:v22+s16+$0x0], $0xffff;
	[tilespmem:s24+$0xD0E0] =	vst v3  }
0x82: {  	v1 =	vmul.f32 $1.023000030e+02, v21;
	v10 =	vmul.f32 $1.023000030e+02, v7;
	v3 =	vadd.f32 v9, v4;
	[tilespmem:s25+$0xD0C0] =	vst v6;
	v4 =	vld.idx.msk [tilespmem:v24+s16+$0x0], $0xffff  }
0x83: {  	v7 =	vmul.f32 $1.023000030e+02, v11;
	v17 =	vmul.f32 $1.023000030e+02, v17;
	v9 =	vld.idx.msk [tilespmem:v25+s16+$0x0], $0xffff  }
0x84: {  	v22 =	vcvt.s32.f32 v22;
	v6 =	vcvt.s32.f32 v24;
	[tilespmem:s26+$0xD0A0] =	vst v3;
	v3 =	vld.idx.msk [tilespmem:v24+s3+$0x0], $0xffff  }
0x85: {  	v12 =	vtrunc.f32 v1;
	v11 =	vtrunc.f32 v17;
	v19 =	vld.idx.msk [tilespmem:v16+s16+$0x0], $0xffff  }
0x86: {  	s30 =	simm.s32 $0xA00;
	v20 =	vtrunc.f32 v7;
	v6 =	vsub.f32 v23, v6;
	v21 =	vcvt.f32.s32 v11;
	v11 =	vld.idx.msk [tilespmem:v25+s3+$0x0], $0xffff  }
.LBB2_5:
0x87: {  	p1 =	sne.s32 s30, $0x18E00;
	v13 =	vsub.f32 v13, v22;
	v22 =	vtrunc.f32 v10;
	v23 =	vcvt.s32.f32 v16;
	v16 =	vld.idx.msk [tilespmem:v16+s3+$0x0], $0xffff  }
0x88: {  	v22 =	vcvt.f32.s32 v22;
	v24 =	vld [tilespmem:s26+$0x8E0];
	v2 =	vsub.f32 v2, v14;
	v4 =	vmul.f32 v6, v4  }
0x89: {  	v12 =	vcvt.f32.s32 v12;
	v6 =	vmul.f32 v13, v18;
	v8 =	vsub.f32 v8, v23;
	v13 =	vld [tilespmem:s26+$0x8D0]  }
0x8a: {  	v18 =	vcvt.f32.s32 v20;
	v14 =	vld [tilespmem:s29+$0x890];
	v2 =	vmul.f32 v2, v9;
	v3 =	vadd.f32 v4, v3  }
0x8b: {  	v4 =	vadd.f32 v6, v15;
	v6 =	vld [tilespmem:s28+$0x8B0];
	v8 =	vmul.f32 v8, v19  }
0x8c: {  	v9 =	vld.idx.msk [tilespmem:v21+s3+$0x0], $0xffff;
	v11 =	vadd.f32 v2, v11;
	[tilespmem:s24+$0xD0F0] =	vst v3;
	s24 =	smov.u32 s25;
	s25 =	smov.u32 s26;
	s26 =	smov.u32 s28  }
0x8d: {  	s28 =	smov.u32 s29;
	v3 =	vld.idx.msk [tilespmem:v21+s16+$0x0], $0xffff;
	[tilespmem:s26+$0xD090] =	vst v4;
	v4 =	vadd.f32 v8, v16  }
0x8e: {  	v23 =	vmul.f32 $1.023000030e+02, v5;
	v19 =	vld.idx.msk [tilespmem:v22+s16+$0x0], $0xffff;
	v2 =	vmul.f32 $1.023000030e+02, v13;
	[tilespmem:s24+$0xD0D0] =	vst v11  }
0x8f: {  	v5 =	vcvt.s32.f32 v21;
	v13 =	vmul.f32 $1.023000030e+02, v14;
	[tilespmem:s25+$0xD0B0] =	vst v4;
	v4 =	vld.idx.msk [tilespmem:v12+s16+$0x0], $0xffff  }
0x90: {  	v11 =	vtrunc.f32 v23;
	v8 =	vmul.f32 $1.023000030e+02, v6;
	v6 =	vld.idx.msk [tilespmem:v18+s16+$0x0], $0xffff  }
0x91: {  	v5 =	vsub.f32 v17, v5;
	v15 =	vcvt.s32.f32 v12;
	v14 =	vtrunc.f32 v13;
	v12 =	vld.idx.msk [tilespmem:v12+s3+$0x0], $0xffff  }
0x92: {  	v16 =	vcvt.s32.f32 v18;
	v14 =	vcvt.f32.s32 v14;
	v17 =	vld.idx.msk [tilespmem:v18+s3+$0x0], $0xffff  }
0x93: {  	v1 =	vsub.f32 v1, v15;
	v3 =	vmul.f32 v5, v3;
	v5 =	vtrunc.f32 v2;
	v20 =	vld [tilespmem:s26+$0x8C0]  }
0x94: {  	v15 =	vcvt.s32.f32 v22;
	v7 =	vsub.f32 v7, v16;
	v11 =	vcvt.f32.s32 v11;
	v21 =	vld.idx.msk [tilespmem:v22+s3+$0x0], $0xffff  }
0x95: {  	s29 =	sshra.s32 s30, $0x2;
	v25 =	vcvt.f32.s32 v5;
	v3 =	vadd.f32 v3, v9;
	v1 =	vmul.f32 v1, v4;
	v9 =	vld [tilespmem:s28+$0x8A0]  }
0x96: {  	v5 =	vtrunc.f32 v8;
	v4 =	vsub.f32 v10, v15;
	v6 =	vmul.f32 v7, v6;
	v22 =	vld [tilespmem:s29+$0x880]  }
0x97: {  	v16 =	vcvt.f32.s32 v5;
	[tilespmem:s28+$0xD080] =	vst v3;
	v5 =	vld [tilespmem:s25+$0x8F0];
	v3 =	vadd.f32 v1, v12  }
0x98: {  	v4 =	vmul.f32 v4, v19;
	v6 =	vadd.f32 v6, v17;
	v15 =	vld.idx.msk [tilespmem:v14+s3+$0x0], $0xffff  }
0x99: {  	v1 =	vmul.f32 $1.023000030e+02, v24;
	v18 =	vld.idx.msk [tilespmem:v14+s16+$0x0], $0xffff;
	[tilespmem:s24+$0xD0E0] =	vst v3  }
.Ltmp3:
0x9a: {  	v7 =	vmul.f32 $1.023000030e+02, v20;
	v3 =	vadd.f32 v4, v21;
	v10 =	vmul.f32 $1.023000030e+02, v9;
	[tilespmem:s25+$0xD0C0] =	vst v6;
	v4 =	vld.idx.msk [tilespmem:v11+s16+$0x0], $0xffff;
	(pc) =	sbr.rel @p1 .LBB2_5-.Ltmp3, $4  }
0x9b: {  	v12 =	vtrunc.f32 v1;
	v17 =	vmul.f32 $1.023000030e+02, v22;
	v9 =	vld.idx.msk [tilespmem:v25+s16+$0x0], $0xffff  }
0x9c: {  	v20 =	vtrunc.f32 v7;
	v6 =	vcvt.s32.f32 v11;
	[tilespmem:s26+$0xD0A0] =	vst v3;
	v3 =	vld.idx.msk [tilespmem:v11+s3+$0x0], $0xffff  }
0x9d: {  	v22 =	vcvt.s32.f32 v14;
	v11 =	vtrunc.f32 v17;
	v19 =	vld.idx.msk [tilespmem:v16+s16+$0x0], $0xffff  }
0x9e: {  	s30 =	sadd.s32 $0x200, s30;
	v14 =	vcvt.s32.f32 v25;
	v6 =	vsub.f32 v23, v6;
	v21 =	vcvt.f32.s32 v11;
	v11 =	vld.idx.msk [tilespmem:v25+s3+$0x0], $0xffff  }
0x9f: {  	_ = 	snop  }
0xa0: {  	v23 =	vld [tilespmem:s29+$0x890];
	_ =	sdelay $0x3  }
0xa1: {  	v24 =	vld.idx.msk [tilespmem:v21+s16+$0x0], $0xffff  }
0xa2: {  	v25 =	vcvt.s32.f32 v21;
	v23 =	vmul.f32 $1.023000030e+02, v23  }
0xa3: {  	v21 =	vld.idx.msk [tilespmem:v21+s3+$0x0], $0xffff  }
0xa4: {  	v17 =	vsub.f32 v17, v25;
	v46 =	vtrunc.f32 v23  }
0xa5: {  	v25 =	vcvt.f32.s32 v46  }
0xa6: {  	v17 =	vmul.f32 v17, v24  }
0xa7: {  	v47 =	vld [tilespmem:s29+$0x8A0]  }
0xa8: {  	v17 =	vadd.f32 v17, v21;
	_ =	sdelay $0x1  }
0xa9: {  	[tilespmem:s29+$0xD080] =	vst v17  }
0xaa: {  	v13 =	vsub.f32 v13, v22;
	v22 =	vtrunc.f32 v10;
	v17 =	vld.idx.msk [tilespmem:v25+s16+$0x0], $0xffff  }
0xab: {  	v21 =	vmul.f32 $1.023000030e+02, v47;
	v48 =	vcvt.s32.f32 v25  }
0xac: {  	v22 =	vcvt.f32.s32 v22;
	v25 =	vld.idx.msk [tilespmem:v25+s3+$0x0], $0xffff  }
0xad: {  	v13 =	vmul.f32 v13, v18;
	v49 =	vtrunc.f32 v21;
	v23 =	vsub.f32 v23, v48  }
0xae: {  	v18 =	vcvt.f32.s32 v49  }
0xaf: {  	v50 =	vld [tilespmem:s28+$0x8B0];
	v13 =	vadd.f32 v13, v15;
	v17 =	vmul.f32 v23, v17  }
0xb0: {  	v15 =	vld [tilespmem:s29+$0x8B0]  }
0xb1: {  	[tilespmem:s28+$0xD090] =	vst v13;
	v17 =	vadd.f32 v17, v25  }
0xb2: {  	v13 =	vcvt.f32.s32 v20;
	v20 =	vld.idx.msk [tilespmem:v22+s16+$0x0], $0xffff;
	v23 =	vcvt.s32.f32 v16  }
0xb3: {  	v16 =	vld.idx.msk [tilespmem:v16+s3+$0x0], $0xffff;
	[tilespmem:s29+$0xD090] =	vst v17  }
0xb4: {  	v8 =	vsub.f32 v8, v23;
	v23 =	vcvt.s32.f32 v22;
	v17 =	vmul.f32 $1.023000030e+02, v50;
	v51 =	vld.idx.msk [tilespmem:v18+s16+$0x0], $0xffff  }
0xb5: {  	v15 =	vmul.f32 $1.023000030e+02, v15;
	v52 =	vcvt.s32.f32 v18;
	v22 =	vld.idx.msk [tilespmem:v22+s3+$0x0], $0xffff  }
0xb6: {  	v8 =	vmul.f32 v8, v19;
	v10 =	vsub.f32 v10, v23;
	v18 =	vld.idx.msk [tilespmem:v18+s3+$0x0], $0xffff;
	v19 =	vtrunc.f32 v17  }
0xb7: {  	v53 =	vtrunc.f32 v15;
	v21 =	vsub.f32 v21, v52;
	v19 =	vcvt.f32.s32 v19  }
0xb8: {  	v10 =	vmul.f32 v10, v20;
	v20 =	vcvt.f32.s32 v53  }
0xb9: {  	v8 =	vadd.f32 v8, v16;
	v16 =	vld [tilespmem:s28+$0x8C0];
	v21 =	vmul.f32 v21, v51  }
0xba: {  	v10 =	vadd.f32 v10, v22;
	v22 =	vld [tilespmem:s29+$0x8C0]  }
0xbb: {  	v26 =	vld [tilespmem:s26+$0x8D0];
	[tilespmem:s26+$0xD0B0] =	vst v8;
	v8 =	vadd.f32 v21, v18  }
0xbc: {  	[tilespmem:s28+$0xD0A0] =	vst v10  }
0xbd: {  	v10 =	vld.idx.msk [tilespmem:v19+s16+$0x0], $0xffff;
	[tilespmem:s29+$0xD0A0] =	vst v8  }
0xbe: {  	v8 =	vmul.f32 $1.023000030e+02, v16;
	v16 =	vcvt.s32.f32 v19;
	v21 =	vld.idx.msk [tilespmem:v20+s16+$0x0], $0xffff  }
0xbf: {  	v54 =	vcvt.s32.f32 v20;
	v22 =	vmul.f32 $1.023000030e+02, v22;
	v19 =	vld.idx.msk [tilespmem:v19+s3+$0x0], $0xffff  }
0xc0: {  	v55 =	vmul.f32 $1.023000030e+02, v26;
	v56 =	vtrunc.f32 v8;
	v16 =	vsub.f32 v17, v16;
	v17 =	vld.idx.msk [tilespmem:v20+s3+$0x0], $0xffff  }
0xc1: {  	v58 =	vld [tilespmem:s28+$0x8D0];
	v15 =	vsub.f32 v15, v54;
	v27 =	vtrunc.f32 v22;
	v26 =	vcvt.f32.s32 v56  }
0xc2: {  	v18 =	vld.idx.msk [tilespmem:v13+s16+$0x0], $0xffff;
	v10 =	vmul.f32 v16, v10;
	v16 =	vcvt.f32.s32 v27  }
0xc3: {  	v20 =	vld.idx.msk [tilespmem:v13+s3+$0x0], $0xffff;
	v13 =	vcvt.s32.f32 v13;
	v15 =	vmul.f32 v15, v21  }
0xc4: {  	v10 =	vadd.f32 v10, v19;
	v19 =	vld [tilespmem:s29+$0x8D0]  }
0xc5: {  	v7 =	vsub.f32 v7, v13;
	v21 =	vtrunc.f32 v55;
	v15 =	vadd.f32 v15, v17  }
0xc6: {  	v23 =	vld [tilespmem:s26+$0x8E0];
	v17 =	vcvt.f32.s32 v21;
	[tilespmem:s28+$0xD0B0] =	vst v10  }
0xc7: {  	v7 =	vmul.f32 v7, v18;
	v18 =	vld.idx.msk [tilespmem:v26+s16+$0x0], $0xffff;
	[tilespmem:s29+$0xD0B0] =	vst v15  }
0xc8: {  	v21 =	vcvt.s32.f32 v26;
	v15 =	vmul.f32 $1.023000030e+02, v58;
	v59 =	vld.idx.msk [tilespmem:v16+s16+$0x0], $0xffff  }
0xc9: {  	v60 =	vcvt.s32.f32 v16;
	v7 =	vadd.f32 v7, v20;
	v20 =	vld.idx.msk [tilespmem:v26+s3+$0x0], $0xffff;
	v19 =	vmul.f32 $1.023000030e+02, v19  }
0xca: {  	v8 =	vsub.f32 v8, v21;
	v16 =	vld.idx.msk [tilespmem:v16+s3+$0x0], $0xffff;
	v21 =	vtrunc.f32 v15  }
0xcb: {  	[tilespmem:s26+$0xD0C0] =	vst v7;
	v7 =	vcvt.f32.s32 v21;
	v21 =	vsub.f32 v22, v60;
	v22 =	vtrunc.f32 v19  }
0xcc: {  	v8 =	vmul.f32 v8, v18;
	v18 =	vld.idx.msk [tilespmem:v17+s16+$0x0], $0xffff;
	v22 =	vcvt.f32.s32 v22  }
0xcd: {  	v13 =	vld [tilespmem:s28+$0x8E0];
	v61 =	vcvt.s32.f32 v17;
	v21 =	vmul.f32 v21, v59  }
0xce: {  	v2 =	vsub.f32 v2, v14;
	v14 =	vmul.f32 $1.023000030e+02, v23;
	v10 =	vld [tilespmem:s29+$0x8E0];
	v8 =	vadd.f32 v8, v20  }
0xcf: {  	v57 =	vld [tilespmem:s26+$0x8F0];
	v12 =	vcvt.f32.s32 v12;
	v20 =	vsub.f32 v55, v61;
	v16 =	vadd.f32 v21, v16  }
0xd0: {  	v2 =	vmul.f32 v2, v9;
	v9 =	vtrunc.f32 v14;
	v17 =	vld.idx.msk [tilespmem:v17+s3+$0x0], $0xffff;
	[tilespmem:s28+$0xD0C0] =	vst v8  }
0xd1: {  	v9 =	vcvt.f32.s32 v9;
	v18 =	vmul.f32 v20, v18;
	v20 =	vld.idx.msk [tilespmem:v7+s16+$0x0], $0xffff;
	[tilespmem:s29+$0xD0C0] =	vst v16  }
0xd2: {  	v13 =	vmul.f32 $1.023000030e+02, v13;
	v16 =	vcvt.s32.f32 v7;
	v21 =	vld.idx.msk [tilespmem:v22+s16+$0x0], $0xffff  }
0xd3: {  	v2 =	vadd.f32 v2, v11;
	v10 =	vmul.f32 $1.023000030e+02, v10;
	v11 =	vcvt.s32.f32 v22;
	v7 =	vld.idx.msk [tilespmem:v7+s3+$0x0], $0xffff  }
0xd4: {  	v5 =	vmul.f32 $1.023000030e+02, v5;
	v22 =	vld.idx.msk [tilespmem:v22+s3+$0x0], $0xffff;
	v15 =	vsub.f32 v15, v16;
	v16 =	vtrunc.f32 v13  }
0xd5: {  	[tilespmem:s25+$0xD0D0] =	vst v2;
	v23 =	vld [tilespmem:s28+$0x8F0];
	v11 =	vsub.f32 v19, v11;
	v2 =	vcvt.f32.s32 v16;
	v16 =	vtrunc.f32 v10  }
0xd6: {  	v19 =	vld.idx.msk [tilespmem:v12+s16+$0x0], $0xffff;
	v17 =	vadd.f32 v18, v17;
	v15 =	vmul.f32 v15, v20;
	v16 =	vcvt.f32.s32 v16  }
0xd7: {  	v8 =	vld [tilespmem:s29+$0x8F0];
	v18 =	vcvt.s32.f32 v12;
	v11 =	vmul.f32 v11, v21  }
0xd8: {  	v12 =	vld.idx.msk [tilespmem:v12+s3+$0x0], $0xffff;
	[tilespmem:s26+$0xD0D0] =	vst v17;
	v17 =	vmul.f32 $1.023000030e+02, v57;
	v20 =	vtrunc.f32 v5;
	v7 =	vadd.f32 v15, v7  }
0xd9: {  	v1 =	vsub.f32 v1, v18;
	v18 =	vld.idx.msk [tilespmem:v9+s16+$0x0], $0xffff;
	v15 =	vcvt.f32.s32 v20;
	v11 =	vadd.f32 v11, v22  }
0xda: {  	v20 =	vtrunc.f32 v17;
	v21 =	vcvt.s32.f32 v9;
	v9 =	vld.idx.msk [tilespmem:v9+s3+$0x0], $0xffff;
	[tilespmem:s28+$0xD0D0] =	vst v7  }
0xdb: {  	v1 =	vmul.f32 v1, v19;
	v7 =	vcvt.f32.s32 v20;
	v19 =	vld.idx.msk [tilespmem:v2+s16+$0x0], $0xffff;
	[tilespmem:s29+$0xD0D0] =	vst v11  }
0xdc: {  	v20 =	vcvt.s32.f32 v2;
	v11 =	vsub.f32 v14, v21;
	v14 =	vmul.f32 $1.023000030e+02, v23;
	v21 =	vld.idx.msk [tilespmem:v16+s16+$0x0], $0xffff  }
0xdd: {  	v8 =	vmul.f32 $1.023000030e+02, v8;
	v1 =	vadd.f32 v1, v12;
	v12 =	vcvt.s32.f32 v16;
	v2 =	vld.idx.msk [tilespmem:v2+s3+$0x0], $0xffff  }
0xde: {  	v13 =	vsub.f32 v13, v20;
	v16 =	vld.idx.msk [tilespmem:v16+s3+$0x0], $0xffff;
	v11 =	vmul.f32 v11, v18;
	v18 =	vtrunc.f32 v14  }
0xdf: {  	v10 =	vsub.f32 v10, v12;
	v20 =	vtrunc.f32 v8;
	v18 =	vcvt.f32.s32 v18  }
0xe0: {  	[tilespmem:s25+$0xD0E0] =	vst v1;
	v1 =	vadd.f32 v11, v9;
	v9 =	vmul.f32 v13, v19;
	v11 =	vcvt.f32.s32 v20  }
0xe1: {  	v12 =	vld.idx.msk [tilespmem:v15+s16+$0x0], $0xffff;
	v10 =	vmul.f32 v10, v21  }
0xe2: {  	v13 =	vld.idx.msk [tilespmem:v15+s3+$0x0], $0xffff;
	[tilespmem:s26+$0xD0E0] =	vst v1;
	v1 =	vadd.f32 v9, v2  }
0xe3: {  	v2 =	vld.idx.msk [tilespmem:v7+s16+$0x0], $0xffff;
	v9 =	vadd.f32 v10, v16  }
0xe4: {  	v10 =	vcvt.s32.f32 v15;
	v15 =	vld.idx.msk [tilespmem:v7+s3+$0x0], $0xffff;
	[tilespmem:s28+$0xD0E0] =	vst v1  }
0xe5: {  	v1 =	vcvt.s32.f32 v7;
	v7 =	vld.idx.msk [tilespmem:v18+s16+$0x0], $0xffff;
	[tilespmem:s29+$0xD0E0] =	vst v9  }
0xe6: {  	v5 =	vsub.f32 v5, v10;
	v9 =	vcvt.s32.f32 v18;
	v10 =	vld.idx.msk [tilespmem:v11+s16+$0x0], $0xffff  }
0xe7: {  	v4 =	vmul.f32 v6, v4;
	v16 =	vcvt.s32.f32 v11;
	v6 =	vld.idx.msk [tilespmem:v18+s3+$0x0], $0xffff;
	v1 =	vsub.f32 v17, v1  }
0xe8: {  	v11 =	vld.idx.msk [tilespmem:v11+s3+$0x0], $0xffff;
	v5 =	vmul.f32 v5, v12;
	v9 =	vsub.f32 v14, v9  }
0xe9: {  	v3 =	vadd.f32 v4, v3;
	v1 =	vmul.f32 v1, v2;
	v2 =	vsub.f32 v8, v16  }
0xea: {  	v4 =	vadd.f32 v5, v13;
	v5 =	vmul.f32 v9, v7  }
0xeb: {  	[tilespmem:s24+$0xD0F0] =	vst v3;
	v1 =	vadd.f32 v1, v15;
	v2 =	vmul.f32 v2, v10  }
0xec: {  	[tilespmem:s25+$0xD0F0] =	vst v4;
	v3 =	vadd.f32 v5, v6  }
0xed: {  	[tilespmem:s26+$0xD0F0] =	vst v1;
	v1 =	vadd.f32 v2, v11  }
0xee: {  	[tilespmem:s28+$0xD0F0] =	vst v3  }
0xef: {  	s26 =	sadd.s32 s23, s6;
	[tilespmem:s29+$0xD0F0] =	vst v1  }
0xf0: {  	[hbm4b:s26+s10] =	stream.strided.scatter [tilespmem:s17], [sflag:$0x3], $0x6400, s11, s10, $0x38;
	[tilespmem:$0x19880] =	vst v63  }
0xf1: {  	s24 =	simm.s32 @!p0 $0x400;
	s25 =	simm.s32 @!p0 $0x20000;
	s26 =	simm.s32 @!p0 $0x880  }
0xf2: {  	[tilespmem:s26], [sflag:$0x1] =	stream.strided.gather @!p0 [hbm4b:s7+s24], $0x6400, s25, s24, $0x38;
	[tilespmem:$0x19880] =	vst v63  }
0xf3: {  	_ =	swait.ge [sflag:s18], $0x6400  }
0xf4: {  	[sflag:s18] =	ssyncset.done $0x0  }
0xf5: {  	s24 =	simm.s32 @p0 $0x4;
	[sflag:s18] =	ssyncadd.s32 $0xFFFF9C00  }
0xf6: {  	_ =	swait.ge @p0 [sflag:s24], $0x6400  }
0xf7: {  	[sflag:s24] =	ssyncset.done @p0 $0x0  }
0xf8: {  	[sflag:s24] =	ssyncadd.s32 @p0 $0xFFFF9C00;
	s24 =	simm.s32 $0x0  }
0xf9: {  	v1 =	vld [tilespmem:s24+$0x6C80];
	_ =	sdelay $0x4  }
0xfa: {  	v1 =	vmul.f32 $1.023000030e+02, v1;
	_ =	sdelay $0x1  }
0xfb: {  	v2 =	vtrunc.f32 v1  }
0xfc: {  	v2 =	vcvt.f32.s32 v2;
	_ =	sdelay $0x1  }
0xfd: {  	v3 =	vld [tilespmem:s24+$0x6C90];
	_ =	sdelay $0x3  }
0xfe: {  	v4 =	vld.idx.msk [tilespmem:v2+s16+$0x0], $0xffff  }
0xff: {  	v3 =	vmul.f32 $1.023000030e+02, v3;
	v5 =	vcvt.s32.f32 v2  }
0x100: {  	v2 =	vld.idx.msk [tilespmem:v2+s3+$0x0], $0xffff  }
0x101: {  	s25 =	simm.s32 $0x80;
	v1 =	vsub.f32 v1, v5;
	v5 =	vtrunc.f32 v3  }
0x102: {  	v6 =	vld [tilespmem:s25+$0x6C80];
	v5 =	vcvt.f32.s32 v5  }
0x103: {  	v1 =	vmul.f32 v1, v4  }
0x104: {  	v4 =	vld [tilespmem:s24+$0x6CA0]  }
0x105: {  	v1 =	vadd.f32 v1, v2;
	_ =	sdelay $0x1  }
0x106: {  	[tilespmem:s24+$0x13480] =	vst v1;
	v1 =	vmul.f32 $1.023000030e+02, v6  }
0x107: {  	v7 =	vcvt.s32.f32 v5;
	v2 =	vld.idx.msk [tilespmem:v5+s16+$0x0], $0xffff  }
0x108: {  	v4 =	vmul.f32 $1.023000030e+02, v4;
	v6 =	vtrunc.f32 v1  }
0x109: {  	v5 =	vld.idx.msk [tilespmem:v5+s3+$0x0], $0xffff;
	v6 =	vcvt.f32.s32 v6  }
0x10a: {  	v3 =	vsub.f32 v3, v7;
	v7 =	vtrunc.f32 v4  }
0x10b: {  	v7 =	vcvt.f32.s32 v7  }
0x10c: {  	v2 =	vmul.f32 v3, v2;
	v3 =	vld [tilespmem:s25+$0x6C90]  }
0x10d: {  	v8 =	vld [tilespmem:s24+$0x6CB0]  }
0x10e: {  	v2 =	vadd.f32 v2, v5  }
0x10f: {  	v5 =	vld.idx.msk [tilespmem:v6+s3+$0x0], $0xffff  }
0x110: {  	v9 =	vld.idx.msk [tilespmem:v6+s16+$0x0], $0xffff;
	[tilespmem:s24+$0x13490] =	vst v2  }
0x111: {  	v6 =	vcvt.s32.f32 v6;
	v2 =	vld.idx.msk [tilespmem:v7+s16+$0x0], $0xffff;
	v3 =	vmul.f32 $1.023000030e+02, v3  }
0x112: {  	v8 =	vmul.f32 $1.023000030e+02, v8;
	v11 =	vcvt.s32.f32 v7  }
0x113: {  	v1 =	vsub.f32 v1, v6;
	v7 =	vld.idx.msk [tilespmem:v7+s3+$0x0], $0xffff;
	v6 =	vtrunc.f32 v3  }
0x114: {  	s26 =	simm.s32 $0x100;
	v10 =	vld [tilespmem:s24+$0x6CC0];
	v4 =	vsub.f32 v4, v11;
	v11 =	vtrunc.f32 v8;
	v6 =	vcvt.f32.s32 v6  }
0x115: {  	v12 =	vld [tilespmem:s26+$0x6C80];
	v11 =	vcvt.f32.s32 v11;
	v1 =	vmul.f32 v1, v9  }
0x116: {  	v9 =	vld [tilespmem:s25+$0x6CA0];
	v2 =	vmul.f32 v4, v2  }
0x117: {  	v1 =	vadd.f32 v1, v5  }
0x118: {  	v2 =	vadd.f32 v2, v7  }
0x119: {  	[tilespmem:s25+$0x13480] =	vst v1  }
0x11a: {  	v1 =	vmul.f32 $1.023000030e+02, v12;
	v7 =	vmul.f32 $1.023000030e+02, v10;
	v4 =	vld.idx.msk [tilespmem:v6+s16+$0x0], $0xffff;
	[tilespmem:s24+$0x134A0] =	vst v2  }
0x11b: {  	v5 =	vmul.f32 $1.023000030e+02, v9;
	v9 =	vcvt.s32.f32 v6;
	v10 =	vld.idx.msk [tilespmem:v11+s16+$0x0], $0xffff  }
0x11c: {  	v14 =	vld [tilespmem:s25+$0x6CB0];
	v12 =	vcvt.s32.f32 v11;
	v2 =	vtrunc.f32 v1  }
0x11d: {  	v2 =	vcvt.f32.s32 v2;
	v3 =	vsub.f32 v3, v9;
	v11 =	vld.idx.msk [tilespmem:v11+s3+$0x0], $0xffff  }
0x11e: {  	v6 =	vld.idx.msk [tilespmem:v6+s3+$0x0], $0xffff;
	v13 =	vtrunc.f32 v7;
	v8 =	vsub.f32 v8, v12;
	v9 =	vtrunc.f32 v5  }
0x11f: {  	v13 =	vcvt.f32.s32 v13;
	v3 =	vmul.f32 v3, v4;
	v4 =	vld [tilespmem:s26+$0x6C90]  }
0x120: {  	s28 =	simm.s32 $0x180;
	v12 =	vld [tilespmem:s24+$0x6CD0];
	v9 =	vcvt.f32.s32 v9;
	v8 =	vmul.f32 v8, v10  }
0x121: {  	v17 =	vld [tilespmem:s28+$0x6C80]  }
0x122: {  	v18 =	vld [tilespmem:s25+$0x6CC0];
	v8 =	vadd.f32 v8, v11  }
0x123: {  	v3 =	vadd.f32 v3, v6;
	v11 =	vld.idx.msk [tilespmem:v2+s16+$0x0], $0xffff  }
0x124: {  	v6 =	vld.idx.msk [tilespmem:v2+s3+$0x0], $0xffff;
	v2 =	vcvt.s32.f32 v2;
	v4 =	vmul.f32 $1.023000030e+02, v4;
	[tilespmem:s24+$0x134B0] =	vst v8  }
0x125: {  	[tilespmem:s25+$0x13490] =	vst v3;
	v8 =	vmul.f32 $1.023000030e+02, v12;
	v12 =	vmul.f32 $1.023000030e+02, v14;
	v14 =	vld.idx.msk [tilespmem:v13+s16+$0x0], $0xffff  }
0x126: {  	v15 =	vcvt.s32.f32 v13;
	v3 =	vld.idx.msk [tilespmem:v9+s16+$0x0], $0xffff;
	v1 =	vsub.f32 v1, v2  }
0x127: {  	v16 =	vcvt.s32.f32 v9;
	v13 =	vld.idx.msk [tilespmem:v13+s3+$0x0], $0xffff;
	v2 =	vtrunc.f32 v4  }
0x128: {  	v7 =	vsub.f32 v7, v15;
	v10 =	vld [tilespmem:s24+$0x6CE0];
	v2 =	vcvt.f32.s32 v2;
	v1 =	vmul.f32 v1, v11  }
0x129: {  	v5 =	vsub.f32 v5, v16;
	v9 =	vld.idx.msk [tilespmem:v9+s3+$0x0], $0xffff;
	v11 =	vtrunc.f32 v8  }
0x12a: {  	v15 =	vld [tilespmem:s26+$0x6CA0];
	v11 =	vcvt.f32.s32 v11;
	v1 =	vadd.f32 v1, v6;
	v6 =	vmul.f32 v7, v14  }
0x12b: {  	v16 =	vtrunc.f32 v12  }
0x12c: {  	v21 =	vld [tilespmem:s25+$0x6CE0];
	v3 =	vmul.f32 v5, v3;
	v7 =	vcvt.f32.s32 v16;
	v5 =	vadd.f32 v6, v13  }
0x12d: {  	[tilespmem:s26+$0x13480] =	vst v1;
	v1 =	vld [tilespmem:s24+$0x6CF0]  }
0x12e: {  	v10 =	vmul.f32 $1.023000030e+02, v10;
	v3 =	vadd.f32 v3, v9;
	v6 =	vld.idx.msk [tilespmem:v2+s3+$0x0], $0xffff;
	[tilespmem:s24+$0x134C0] =	vst v5;
	v5 =	vmul.f32 $1.023000030e+02, v17  }
0x12f: {  	v14 =	vmul.f32 $1.023000030e+02, v15;
	v15 =	vmul.f32 $1.023000030e+02, v18;
	v9 =	vld.idx.msk [tilespmem:v2+s16+$0x0], $0xffff  }
0x130: {  	[tilespmem:s25+$0x134A0] =	vst v3;
	v2 =	vcvt.s32.f32 v2;
	v13 =	vld.idx.msk [tilespmem:v11+s16+$0x0], $0xffff;
	v3 =	vtrunc.f32 v5  }
0x131: {  	v18 =	vcvt.s32.f32 v11;
	v11 =	vld.idx.msk [tilespmem:v11+s3+$0x0], $0xffff;
	v3 =	vcvt.f32.s32 v3  }
0x132: {  	v16 =	vtrunc.f32 v10;
	v2 =	vsub.f32 v4, v2;
	v4 =	vtrunc.f32 v14;
	v17 =	vld.idx.msk [tilespmem:v7+s16+$0x0], $0xffff  }
0x133: {  	v19 =	vcvt.s32.f32 v7;
	v8 =	vsub.f32 v8, v18;
	v18 =	vld [tilespmem:s28+$0x6C90];
	v4 =	vcvt.f32.s32 v4  }
0x134: {  	v16 =	vcvt.f32.s32 v16;
	v7 =	vld.idx.msk [tilespmem:v7+s3+$0x0], $0xffff;
	v2 =	vmul.f32 v2, v9  }
0x135: {  	v20 =	vtrunc.f32 v15;
	v9 =	vsub.f32 v12, v19;
	v12 =	vld [tilespmem:s25+$0x6CD0];
	v8 =	vmul.f32 v8, v13  }
0x136: {  	v19 =	vcvt.f32.s32 v20;
	v2 =	vadd.f32 v2, v6;
	v6 =	vld [tilespmem:s26+$0x6CB0]  }
0x137: {  	v23 =	vmul.f32 $1.023000030e+02, v1;
	v9 =	vmul.f32 v9, v17;
	v8 =	vadd.f32 v8, v11;
	v17 =	vld.idx.msk [tilespmem:v3+s3+$0x0], $0xffff  }
0x138: {  	v1 =	vcvt.s32.f32 v3;
	v13 =	vmul.f32 $1.023000030e+02, v18;
	[tilespmem:s26+$0x13490] =	vst v2;
	v11 =	vld.idx.msk [tilespmem:v3+s16+$0x0], $0xffff  }
0x139: {  	v7 =	vadd.f32 v9, v7;
	v9 =	vld.idx.msk [tilespmem:v4+s16+$0x0], $0xffff;
	[tilespmem:s24+$0x134D0] =	vst v8  }
0x13a: {  	v1 =	vsub.f32 v5, v1;
	v5 =	vtrunc.f32 v13;
	v3 =	vld.idx.msk [tilespmem:v16+s16+$0x0], $0xffff  }
0x13b: {  	v2 =	vmul.f32 $1.023000030e+02, v12;
	v12 =	vcvt.s32.f32 v16;
	[tilespmem:s25+$0x134B0] =	vst v7;
	v18 =	vld.idx.msk [tilespmem:v16+s3+$0x0], $0xffff  }
0x13c: {  	v22 =	vcvt.f32.s32 v5;
	v8 =	vmul.f32 $1.023000030e+02, v6;
	v6 =	vld.idx.msk [tilespmem:v19+s16+$0x0], $0xffff  }
0x13d: {  	v5 =	vcvt.s32.f32 v19;
	v10 =	vsub.f32 v10, v12;
	v12 =	vcvt.s32.f32 v4;
	v4 =	vld.idx.msk [tilespmem:v4+s3+$0x0], $0xffff  }
0x13e: {  	v7 =	vtrunc.f32 v23;
	v19 =	vld.idx.msk [tilespmem:v19+s3+$0x0], $0xffff;
	v1 =	vmul.f32 v1, v11  }
0x13f: {  	v16 =	vtrunc.f32 v2;
	v5 =	vsub.f32 v15, v5;
	v62 =	vcvt.f32.s32 v7;
	v7 =	vld [tilespmem:s28+$0x6CA0]  }
0x140: {  	s30 =	simm.s32 $0x200;
	v63 =	vcvt.f32.s32 v16;
	v11 =	vld [tilespmem:s26+$0x6CC0];
	v1 =	vadd.f32 v1, v17;
	v3 =	vmul.f32 v10, v3  }
0x141: {  	v17 =	vld [tilespmem:s30+$0x6C80];
	v10 =	vsub.f32 v14, v12;
	v12 =	vtrunc.f32 v8;
	v6 =	vmul.f32 v5, v6  }
0x142: {  	v16 =	vcvt.f32.s32 v12;
	v5 =	vld [tilespmem:s25+$0x6CF0];
	[tilespmem:s28+$0x13480] =	vst v1;
	v3 =	vadd.f32 v3, v18  }
0x143: {  	v9 =	vmul.f32 v10, v9;
	v15 =	vld.idx.msk [tilespmem:v22+s3+$0x0], $0xffff;
	v6 =	vadd.f32 v6, v19  }
0x144: {  	v14 =	vcvt.s32.f32 v63;
	v18 =	vld.idx.msk [tilespmem:v22+s16+$0x0], $0xffff;
	[tilespmem:s24+$0x134E0] =	vst v3  }
0x145: {  	v1 =	vmul.f32 $1.023000030e+02, v21;
	v10 =	vmul.f32 $1.023000030e+02, v7;
	v3 =	vadd.f32 v9, v4;
	[tilespmem:s25+$0x134C0] =	vst v6;
	v4 =	vld.idx.msk [tilespmem:v62+s16+$0x0], $0xffff  }
0x146: {  	v7 =	vmul.f32 $1.023000030e+02, v11;
	v17 =	vmul.f32 $1.023000030e+02, v17;
	v9 =	vld.idx.msk [tilespmem:v63+s16+$0x0], $0xffff  }
0x147: {  	v22 =	vcvt.s32.f32 v22;
	v6 =	vcvt.s32.f32 v62;
	[tilespmem:s26+$0x134A0] =	vst v3;
	v3 =	vld.idx.msk [tilespmem:v62+s3+$0x0], $0xffff  }
0x148: {  	v12 =	vtrunc.f32 v1;
	v11 =	vtrunc.f32 v17;
	v19 =	vld.idx.msk [tilespmem:v16+s16+$0x0], $0xffff  }
0x149: {  	s31 =	simm.s32 $0xA00;
	s29 =	sor.u32 $0x80, s23;
	v20 =	vtrunc.f32 v7;
	v6 =	vsub.f32 v23, v6;
	v21 =	vcvt.f32.s32 v11;
	v11 =	vld.idx.msk [tilespmem:v63+s3+$0x0], $0xffff  }
.LBB2_7:
0x14a: {  	p1 =	sne.s32 s31, $0x18E00;
	v13 =	vsub.f32 v13, v22;
	v22 =	vtrunc.f32 v10;
	v23 =	vcvt.s32.f32 v16;
	v16 =	vld.idx.msk [tilespmem:v16+s3+$0x0], $0xffff  }
0x14b: {  	v22 =	vcvt.f32.s32 v22;
	v24 =	vld [tilespmem:s26+$0x6CE0];
	v2 =	vsub.f32 v2, v14;
	v4 =	vmul.f32 v6, v4  }
0x14c: {  	v12 =	vcvt.f32.s32 v12;
	v6 =	vmul.f32 v13, v18;
	v8 =	vsub.f32 v8, v23;
	v13 =	vld [tilespmem:s26+$0x6CD0]  }
0x14d: {  	v18 =	vcvt.f32.s32 v20;
	v14 =	vld [tilespmem:s30+$0x6C90];
	v2 =	vmul.f32 v2, v9;
	v3 =	vadd.f32 v4, v3  }
0x14e: {  	v4 =	vadd.f32 v6, v15;
	v6 =	vld [tilespmem:s28+$0x6CB0];
	v8 =	vmul.f32 v8, v19  }
0x14f: {  	v9 =	vld.idx.msk [tilespmem:v21+s3+$0x0], $0xffff;
	v11 =	vadd.f32 v2, v11;
	[tilespmem:s24+$0x134F0] =	vst v3;
	s24 =	smov.u32 s25;
	s25 =	smov.u32 s26;
	s26 =	smov.u32 s28  }
0x150: {  	s28 =	smov.u32 s30;
	v3 =	vld.idx.msk [tilespmem:v21+s16+$0x0], $0xffff;
	[tilespmem:s26+$0x13490] =	vst v4;
	v4 =	vadd.f32 v8, v16  }
0x151: {  	v23 =	vmul.f32 $1.023000030e+02, v5;
	v19 =	vld.idx.msk [tilespmem:v22+s16+$0x0], $0xffff;
	v2 =	vmul.f32 $1.023000030e+02, v13;
	[tilespmem:s24+$0x134D0] =	vst v11  }
0x152: {  	v5 =	vcvt.s32.f32 v21;
	v13 =	vmul.f32 $1.023000030e+02, v14;
	[tilespmem:s25+$0x134B0] =	vst v4;
	v4 =	vld.idx.msk [tilespmem:v12+s16+$0x0], $0xffff  }
0x153: {  	v11 =	vtrunc.f32 v23;
	v8 =	vmul.f32 $1.023000030e+02, v6;
	v6 =	vld.idx.msk [tilespmem:v18+s16+$0x0], $0xffff  }
0x154: {  	v5 =	vsub.f32 v17, v5;
	v15 =	vcvt.s32.f32 v12;
	v14 =	vtrunc.f32 v13;
	v12 =	vld.idx.msk [tilespmem:v12+s3+$0x0], $0xffff  }
0x155: {  	v16 =	vcvt.s32.f32 v18;
	v14 =	vcvt.f32.s32 v14;
	v17 =	vld.idx.msk [tilespmem:v18+s3+$0x0], $0xffff  }
0x156: {  	v1 =	vsub.f32 v1, v15;
	v3 =	vmul.f32 v5, v3;
	v5 =	vtrunc.f32 v2;
	v20 =	vld [tilespmem:s26+$0x6CC0]  }
0x157: {  	v15 =	vcvt.s32.f32 v22;
	v7 =	vsub.f32 v7, v16;
	v11 =	vcvt.f32.s32 v11;
	v21 =	vld.idx.msk [tilespmem:v22+s3+$0x0], $0xffff  }
0x158: {  	s30 =	sshra.s32 s31, $0x2;
	v25 =	vcvt.f32.s32 v5;
	v3 =	vadd.f32 v3, v9;
	v1 =	vmul.f32 v1, v4;
	v9 =	vld [tilespmem:s28+$0x6CA0]  }
0x159: {  	v5 =	vtrunc.f32 v8;
	v4 =	vsub.f32 v10, v15;
	v6 =	vmul.f32 v7, v6;
	v22 =	vld [tilespmem:s30+$0x6C80]  }
0x15a: {  	v16 =	vcvt.f32.s32 v5;
	[tilespmem:s28+$0x13480] =	vst v3;
	v5 =	vld [tilespmem:s25+$0x6CF0];
	v3 =	vadd.f32 v1, v12  }
0x15b: {  	v4 =	vmul.f32 v4, v19;
	v6 =	vadd.f32 v6, v17;
	v15 =	vld.idx.msk [tilespmem:v14+s3+$0x0], $0xffff  }
0x15c: {  	v1 =	vmul.f32 $1.023000030e+02, v24;
	v18 =	vld.idx.msk [tilespmem:v14+s16+$0x0], $0xffff;
	[tilespmem:s24+$0x134E0] =	vst v3  }
.Ltmp4:
0x15d: {  	v7 =	vmul.f32 $1.023000030e+02, v20;
	v3 =	vadd.f32 v4, v21;
	v10 =	vmul.f32 $1.023000030e+02, v9;
	[tilespmem:s25+$0x134C0] =	vst v6;
	v4 =	vld.idx.msk [tilespmem:v11+s16+$0x0], $0xffff;
	(pc) =	sbr.rel @p1 .LBB2_7-.Ltmp4, $4  }
0x15e: {  	v12 =	vtrunc.f32 v1;
	v17 =	vmul.f32 $1.023000030e+02, v22;
	v9 =	vld.idx.msk [tilespmem:v25+s16+$0x0], $0xffff  }
0x15f: {  	v20 =	vtrunc.f32 v7;
	v6 =	vcvt.s32.f32 v11;
	[tilespmem:s26+$0x134A0] =	vst v3;
	v3 =	vld.idx.msk [tilespmem:v11+s3+$0x0], $0xffff  }
0x160: {  	v22 =	vcvt.s32.f32 v14;
	v11 =	vtrunc.f32 v17;
	v19 =	vld.idx.msk [tilespmem:v16+s16+$0x0], $0xffff  }
0x161: {  	s31 =	sadd.s32 $0x200, s31;
	v14 =	vcvt.s32.f32 v25;
	v6 =	vsub.f32 v23, v6;
	v21 =	vcvt.f32.s32 v11;
	v11 =	vld.idx.msk [tilespmem:v25+s3+$0x0], $0xffff  }
0x162: {  	_ = 	snop  }
0x163: {  	v23 =	vld [tilespmem:s30+$0x6C90];
	_ =	sdelay $0x3  }
0x164: {  	v24 =	vld.idx.msk [tilespmem:v21+s16+$0x0], $0xffff  }
0x165: {  	v25 =	vcvt.s32.f32 v21;
	v23 =	vmul.f32 $1.023000030e+02, v23  }
0x166: {  	v42 =	vld.idx.msk [tilespmem:v21+s3+$0x0], $0xffff  }
0x167: {  	v17 =	vsub.f32 v17, v25;
	v43 =	vtrunc.f32 v23  }
0x168: {  	v25 =	vcvt.f32.s32 v43  }
0x169: {  	v17 =	vmul.f32 v17, v24  }
0x16a: {  	v44 =	vld [tilespmem:s30+$0x6CA0]  }
0x16b: {  	v17 =	vadd.f32 v17, v42;
	_ =	sdelay $0x1  }
0x16c: {  	[tilespmem:s30+$0x13480] =	vst v17  }
0x16d: {  	v17 =	vld.idx.msk [tilespmem:v25+s16+$0x0], $0xffff  }
0x16e: {  	v45 =	vmul.f32 $1.023000030e+02, v44;
	v46 =	vcvt.s32.f32 v25  }
0x16f: {  	v13 =	vsub.f32 v13, v22;
	v47 =	vtrunc.f32 v10;
	v25 =	vld.idx.msk [tilespmem:v25+s3+$0x0], $0xffff  }
0x170: {  	v22 =	vcvt.f32.s32 v47;
	v48 =	vtrunc.f32 v45;
	v23 =	vsub.f32 v23, v46  }
0x171: {  	v13 =	vmul.f32 v13, v18;
	v49 =	vcvt.f32.s32 v48  }
0x172: {  	v50 =	vld [tilespmem:s28+$0x6CB0];
	v17 =	vmul.f32 v23, v17  }
0x173: {  	v51 =	vld [tilespmem:s30+$0x6CB0];
	v13 =	vadd.f32 v13, v15  }
0x174: {  	v17 =	vadd.f32 v17, v25  }
0x175: {  	v52 =	vcvt.s32.f32 v16;
	[tilespmem:s28+$0x13490] =	vst v13  }
0x176: {  	v55 =	vld.idx.msk [tilespmem:v22+s16+$0x0], $0xffff;
	[tilespmem:s30+$0x13490] =	vst v17  }
0x177: {  	v8 =	vsub.f32 v8, v52;
	v57 =	vcvt.s32.f32 v22;
	v56 =	vmul.f32 $1.023000030e+02, v50;
	v58 =	vld.idx.msk [tilespmem:v49+s16+$0x0], $0xffff  }
0x178: {  	v15 =	vmul.f32 $1.023000030e+02, v51;
	v22 =	vld.idx.msk [tilespmem:v22+s3+$0x0], $0xffff;
	v59 =	vcvt.s32.f32 v49  }
0x179: {  	v8 =	vmul.f32 v8, v19;
	v60 =	vsub.f32 v10, v57;
	v61 =	vtrunc.f32 v56;
	v18 =	vld.idx.msk [tilespmem:v49+s3+$0x0], $0xffff  }
0x17a: {  	v63 =	vtrunc.f32 v15;
	v19 =	vcvt.f32.s32 v61;
	v21 =	vsub.f32 v45, v59  }
0x17b: {  	v28 =	vcvt.f32.s32 v63;
	v10 =	vmul.f32 v60, v55  }
0x17c: {  	v29 =	vld [tilespmem:s28+$0x6CC0];
	v21 =	vmul.f32 v21, v58  }
0x17d: {  	v30 =	vld [tilespmem:s30+$0x6CC0];
	v10 =	vadd.f32 v10, v22  }
0x17e: {  	v26 =	vld [tilespmem:s26+$0x6CD0];
	v31 =	vadd.f32 v21, v18  }
0x17f: {  	v53 =	vld.idx.msk [tilespmem:v16+s3+$0x0], $0xffff;
	[tilespmem:s28+$0x134A0] =	vst v10  }
0x180: {  	v54 =	vcvt.f32.s32 v20;
	v10 =	vld.idx.msk [tilespmem:v19+s16+$0x0], $0xffff;
	[tilespmem:s30+$0x134A0] =	vst v31  }
0x181: {  	v33 =	vmul.f32 $1.023000030e+02, v29;
	v34 =	vcvt.s32.f32 v19;
	v35 =	vld.idx.msk [tilespmem:v28+s16+$0x0], $0xffff  }
0x182: {  	v36 =	vcvt.s32.f32 v28;
	v22 =	vmul.f32 $1.023000030e+02, v30;
	v19 =	vld.idx.msk [tilespmem:v19+s3+$0x0], $0xffff  }
0x183: {  	v37 =	vmul.f32 $1.023000030e+02, v26;
	v38 =	vtrunc.f32 v33;
	v16 =	vsub.f32 v56, v34;
	v39 =	vld.idx.msk [tilespmem:v28+s3+$0x0], $0xffff  }
0x184: {  	v26 =	vcvt.f32.s32 v38;
	v15 =	vsub.f32 v15, v36;
	v27 =	vtrunc.f32 v22  }
0x185: {  	v62 =	vld [tilespmem:s26+$0x6CE0];
	v8 =	vadd.f32 v8, v53;
	v42 =	vcvt.f32.s32 v27;
	v10 =	vmul.f32 v16, v10  }
0x186: {  	v43 =	vld [tilespmem:s28+$0x6CD0];
	v15 =	vmul.f32 v15, v35  }
0x187: {  	v2 =	vsub.f32 v2, v14;
	v44 =	vld [tilespmem:s30+$0x6CD0];
	[tilespmem:s26+$0x134B0] =	vst v8;
	v10 =	vadd.f32 v10, v19  }
0x188: {  	v12 =	vcvt.f32.s32 v12;
	v32 =	vld.idx.msk [tilespmem:v54+s16+$0x0], $0xffff;
	v15 =	vadd.f32 v15, v39  }
0x189: {  	v2 =	vmul.f32 v2, v9;
	v13 =	vcvt.s32.f32 v54;
	v40 =	vld.idx.msk [tilespmem:v54+s3+$0x0], $0xffff;
	[tilespmem:s28+$0x134B0] =	vst v10  }
0x18a: {  	v51 =	vcvt.s32.f32 v26;
	v45 =	vtrunc.f32 v37;
	v49 =	vld.idx.msk [tilespmem:v26+s16+$0x0], $0xffff;
	[tilespmem:s30+$0x134B0] =	vst v15  }
0x18b: {  	v7 =	vsub.f32 v7, v13;
	v47 =	vcvt.f32.s32 v45;
	v50 =	vmul.f32 $1.023000030e+02, v43;
	v52 =	vld.idx.msk [tilespmem:v42+s16+$0x0], $0xffff  }
0x18c: {  	v2 =	vadd.f32 v2, v11;
	v54 =	vcvt.s32.f32 v42;
	v19 =	vmul.f32 $1.023000030e+02, v44;
	v53 =	vld.idx.msk [tilespmem:v26+s3+$0x0], $0xffff  }
0x18d: {  	v8 =	vsub.f32 v33, v51;
	v7 =	vmul.f32 v7, v32;
	v55 =	vtrunc.f32 v50;
	v16 =	vld.idx.msk [tilespmem:v42+s3+$0x0], $0xffff  }
0x18e: {  	v41 =	vld [tilespmem:s26+$0x6CF0];
	v56 =	vcvt.f32.s32 v55;
	v57 =	vsub.f32 v22, v54;
	v58 =	vtrunc.f32 v19  }
0x18f: {  	v46 =	vld [tilespmem:s28+$0x6CE0];
	v7 =	vadd.f32 v7, v40;
	v22 =	vcvt.f32.s32 v58;
	v8 =	vmul.f32 v8, v49  }
0x190: {  	[tilespmem:s25+$0x134D0] =	vst v2;
	v48 =	vld [tilespmem:s30+$0x6CE0];
	v21 =	vmul.f32 v57, v52  }
0x191: {  	v33 =	vld.idx.msk [tilespmem:v12+s16+$0x0], $0xffff;
	[tilespmem:s26+$0x134C0] =	vst v7;
	v8 =	vadd.f32 v8, v53  }
0x192: {  	v61 =	vmul.f32 $1.023000030e+02, v62;
	v59 =	vld.idx.msk [tilespmem:v47+s16+$0x0], $0xffff;
	v16 =	vadd.f32 v21, v16  }
0x193: {  	v34 =	vcvt.s32.f32 v12;
	v60 =	vcvt.s32.f32 v47;
	v17 =	vld.idx.msk [tilespmem:v47+s3+$0x0], $0xffff;
	[tilespmem:s28+$0x134C0] =	vst v8  }
0x194: {  	v13 =	vmul.f32 $1.023000030e+02, v46;
	v25 =	vtrunc.f32 v61;
	v27 =	vld.idx.msk [tilespmem:v56+s16+$0x0], $0xffff;
	[tilespmem:s30+$0x134C0] =	vst v16  }
0x195: {  	v62 =	vsub.f32 v37, v60;
	v9 =	vcvt.f32.s32 v25;
	v28 =	vcvt.s32.f32 v56;
	v29 =	vld.idx.msk [tilespmem:v22+s16+$0x0], $0xffff  }
0x196: {  	v10 =	vmul.f32 $1.023000030e+02, v48;
	v30 =	vcvt.s32.f32 v22;
	v7 =	vld.idx.msk [tilespmem:v56+s3+$0x0], $0xffff  }
0x197: {  	v18 =	vmul.f32 v62, v59;
	v31 =	vtrunc.f32 v13;
	v15 =	vsub.f32 v50, v28;
	v22 =	vld.idx.msk [tilespmem:v22+s3+$0x0], $0xffff  }
0x198: {  	v63 =	vld [tilespmem:s28+$0x6CF0];
	v32 =	vtrunc.f32 v10;
	v2 =	vcvt.f32.s32 v31;
	v11 =	vsub.f32 v19, v30  }
0x199: {  	v17 =	vadd.f32 v18, v17;
	v15 =	vmul.f32 v15, v27;
	v16 =	vcvt.f32.s32 v32  }
0x19a: {  	v1 =	vsub.f32 v1, v34;
	v26 =	vld [tilespmem:s30+$0x6CF0];
	v11 =	vmul.f32 v11, v29  }
0x19b: {  	v5 =	vmul.f32 $1.023000030e+02, v5;
	v12 =	vld.idx.msk [tilespmem:v12+s3+$0x0], $0xffff;
	v36 =	vmul.f32 $1.023000030e+02, v41;
	[tilespmem:s26+$0x134D0] =	vst v17;
	v7 =	vadd.f32 v15, v7  }
0x19c: {  	v1 =	vmul.f32 v1, v33;
	v40 =	vcvt.s32.f32 v9;
	v38 =	vld.idx.msk [tilespmem:v9+s16+$0x0], $0xffff;
	v11 =	vadd.f32 v11, v22  }
0x19d: {  	v44 =	vmul.f32 $1.023000030e+02, v63;
	v9 =	vld.idx.msk [tilespmem:v9+s3+$0x0], $0xffff;
	v35 =	vtrunc.f32 v5;
	[tilespmem:s28+$0x134D0] =	vst v7  }
0x19e: {  	v45 =	vcvt.s32.f32 v2;
	v37 =	vcvt.f32.s32 v35;
	v42 =	vld.idx.msk [tilespmem:v2+s16+$0x0], $0xffff;
	[tilespmem:s30+$0x134D0] =	vst v11  }
0x19f: {  	v43 =	vsub.f32 v61, v40;
	v8 =	vmul.f32 $1.023000030e+02, v26;
	v39 =	vtrunc.f32 v36;
	v46 =	vld.idx.msk [tilespmem:v16+s16+$0x0], $0xffff  }
0x1a0: {  	v1 =	vadd.f32 v1, v12;
	v41 =	vcvt.f32.s32 v39;
	v2 =	vld.idx.msk [tilespmem:v2+s3+$0x0], $0xffff;
	v47 =	vcvt.s32.f32 v16  }
0x1a1: {  	v48 =	vtrunc.f32 v44;
	v13 =	vsub.f32 v13, v45;
	v11 =	vmul.f32 v43, v38;
	v16 =	vld.idx.msk [tilespmem:v16+s3+$0x0], $0xffff  }
0x1a2: {  	v18 =	vcvt.f32.s32 v48;
	v49 =	vtrunc.f32 v8;
	v10 =	vsub.f32 v10, v47  }
0x1a3: {  	[tilespmem:s25+$0x134E0] =	vst v1;
	v51 =	vcvt.f32.s32 v49;
	v50 =	vmul.f32 v13, v42;
	v1 =	vadd.f32 v11, v9  }
0x1a4: {  	v53 =	vld.idx.msk [tilespmem:v37+s3+$0x0], $0xffff;
	v10 =	vmul.f32 v10, v46  }
0x1a5: {  	v52 =	vld.idx.msk [tilespmem:v37+s16+$0x0], $0xffff;
	[tilespmem:s26+$0x134E0] =	vst v1;
	v1 =	vadd.f32 v50, v2  }
0x1a6: {  	v2 =	vld.idx.msk [tilespmem:v41+s16+$0x0], $0xffff;
	v54 =	vadd.f32 v10, v16  }
0x1a7: {  	v55 =	vcvt.s32.f32 v37;
	v56 =	vld.idx.msk [tilespmem:v41+s3+$0x0], $0xffff;
	[tilespmem:s28+$0x134E0] =	vst v1  }
0x1a8: {  	v1 =	vcvt.s32.f32 v41;
	v57 =	vld.idx.msk [tilespmem:v18+s16+$0x0], $0xffff;
	[tilespmem:s30+$0x134E0] =	vst v54  }
0x1a9: {  	v58 =	vcvt.s32.f32 v18;
	v5 =	vsub.f32 v5, v55;
	v59 =	vld.idx.msk [tilespmem:v51+s16+$0x0], $0xffff  }
0x1aa: {  	v4 =	vmul.f32 v6, v4;
	v61 =	vcvt.s32.f32 v51;
	v60 =	vld.idx.msk [tilespmem:v18+s3+$0x0], $0xffff;
	v1 =	vsub.f32 v36, v1  }
0x1ab: {  	v5 =	vmul.f32 v5, v52;
	v9 =	vsub.f32 v44, v58;
	v11 =	vld.idx.msk [tilespmem:v51+s3+$0x0], $0xffff  }
0x1ac: {  	v3 =	vadd.f32 v4, v3;
	v1 =	vmul.f32 v1, v2;
	v2 =	vsub.f32 v8, v61  }
0x1ad: {  	v62 =	vadd.f32 v5, v53;
	v63 =	vmul.f32 v9, v57  }
0x1ae: {  	[tilespmem:s24+$0x134F0] =	vst v3;
	v1 =	vadd.f32 v1, v56;
	v2 =	vmul.f32 v2, v59  }
.Ltmp5:
0x1af: {  	[tilespmem:s25+$0x134F0] =	vst v62;
	v3 =	vadd.f32 v63, v60;
	(pc) =	sbr.rel @p0 .LBB2_10-.Ltmp5, $4  }
0x1b0: {  	[tilespmem:s26+$0x134F0] =	vst v1;
	v1 =	vadd.f32 v2, v11  }
0x1b1: {  	[tilespmem:s28+$0x134F0] =	vst v3  }
0x1b2: {  	s31 =	sadd.s32 s29, s6;
	[tilespmem:s30+$0x134F0] =	vst v1  }
0x1b3: {  	[hbm4b:s31+s10] =	stream.strided.scatter [tilespmem:s19], [sflag:$0x4], $0x6400, s11, s10, $0x38;
	[tilespmem:$0x19880] =	vst v63  }
.Ltmp6:
0x1b4: {  	(pc) =	sbr.rel .LBB2_4-.Ltmp6, $4  }
0x1b5: {  	_ = 	snop  }
0x1b6: {  	s23 =	sadd.s32 s23, s8  }
0x1b7: {  	[tilespmem:s13], [sflag:$0x2] =	stream.strided.gather [hbm4b:s23+s10], $0x6400, s11, s10, $0x38;
	[tilespmem:$0x19880] =	vst v63  }
0x1b8: {  	p0 =	por $0x1, $0x1;
	s23 =	simm.s32 $0x100  }
.LBB2_11:
0x1b9: {  	_ =	sfence.sel $0x180000  }
0x1ba: {  	[bflag:$0x0] =	sbarrier.arrive $0xFFFF  }
0x1bb: {  	p0 =	sne.s32 s2, $0x0;
	_ =	strace $0x90000047  }
0x1bc: {  	s0 =	sadd.s32 @!p0 $0x100000, s0;
	[bflag:$0x2] =	sbarrier.arrive $0xFFFF  }
0x1bd: {  	[sflag:s0] =	ssyncadd.tile.s32 @!p0 $0x1;
	_ =	shalt  }
.Lfunc_end2:
_tile_overlayer_lowered:
.L_overlay_start_2:
0x1be: {  	(tag) =	ssettag $0x2  }
0x1bf: {  	s0 =	rddreg [dreg:$0x0];
	s2 =	stileid.u32  }
0x1c0: {  	s1 =	rddreg [dreg:$0x1];
	p0 =	sne.s32 s2, $0x0  }
0x1c1: {  	s3 =	rddreg [dreg:$0x2];
	[bflag:$0x3] =	sbarrier.arrive $0xFFFF;
	s2 =	simm.s32 @!p0 $0x1C05  }
0x1c2: {  	[timem:s3], [sflag:s2] =	dma.local @!p0 [hbm:s0], s1  }
0x1c3: {  	s0 =	simm.s32 @!p0 $0x5  }
0x1c4: {  	_ =	swait.ge @!p0 [sflag:s0], s1  }
0x1c5: {  	s1 =	ssub.s32 @!p0 $0x0, s1;
	[sflag:s0] =	ssyncset.done @!p0 $0x0  }
0x1c6: {  	[sflag:s0] =	ssyncadd.s32 @!p0 s1  }
0x1c7: {  	[bflag:$0x3] =	sbarrier.arrive $0xFFFF  }
0x1c8: {  	_ =	shalt  }

</sc_bundles>
